<compile_context>
chip_gen: v7x
topology: tpu7x:2x2x1
jax: 0.10.2.dev20260603
libtpu: 0.0.44.dev20260713+nightly
codegen_flags: <defaults>
</compile_context>

<pallas_src>
import functools

import jax
import jax.numpy as jnp
from jax import lax
from jax.experimental import pallas as pl
from jax.experimental.pallas import tpu as pltpu
from jax.experimental.pallas import tpu_sc as plsc

N = 10000
E = 320000
D = 128
NC = 2
NS = 16
NW = NC * NS
CK = 128
NCH = E // CK
CPW = NCH // NW
CREM = NCH % NW
CMAX = CPW + 1
NPAD = 10240
RPS = NPAD // NS
DEGW = 16
L = 16
NBUF = 3
RB2 = 2
IB = 4

_MESH = dict(core_axis_name="c", subcore_axis_name="s", num_cores=NC,
             num_subcores=NS)


def _zero_vmem_2d(ref, rows, cols):
    z = jnp.zeros((L,), jnp.float32)

    def body(k, _):
        i = k // (cols // L)
        j = k % (cols // L)
        ref[i, pl.ds(j * L, L)] = z
        return _

    lax.fori_loop(0, rows * (cols // L), body, None)


@functools.partial(
    pl.kernel,
    out_type=jax.ShapeDtypeStruct((NC, NPAD, DEGW), jnp.float32),
    mesh=plsc.VectorSubcoreMesh(**_MESH),
    scratch_types=[
        pltpu.VMEM((CMAX, CK), jnp.int32),
        pltpu.VMEM((CK, DEGW), jnp.float32),
        pltpu.VMEM_SHARED((NPAD, DEGW), jnp.float32),
        pltpu.SemaphoreType.DMA((NBUF,)),
        pltpu.SemaphoreType.DMA,
    ],
)
def _sc_degree(ei_hbm, out_hbm, idx_v, ones_v, acc_sh, ssem, psem):
    c = lax.axis_index("c")
    s = lax.axis_index("s")
    wid = c * NS + s
    ncw = jnp.where(wid < CREM, CPW + 1, CPW)

    def pre(t, _):
        base = E + (wid + t * NW) * CK
        pltpu.make_async_copy(ei_hbm.at[pl.ds(base, CK)],
                              idx_v.at[t], psem).start()
        return _

    def pre_wait(t, _):
        pltpu.make_async_copy(ei_hbm.at[pl.ds(E + wid * CK, CK)],
                              idx_v.at[0], psem).wait()
        return _

    lax.fori_loop(0, ncw, pre, None)

    _zero_vmem_2d(ones_v, CK, DEGW)

    def zinit(j, _):
        pltpu.sync_copy(ones_v, acc_sh.at[pl.ds(s * RPS + j * CK, CK)])
        return _

    lax.fori_loop(0, RPS // CK, zinit, None)

    one = jnp.full((L,), 1.0, jnp.float32)

    def fill(i, _):
        ones_v[i, :] = one
        return _

    lax.fori_loop(0, CK, fill, None)
    lax.fori_loop(0, ncw, pre_wait, None)
    plsc.subcore_barrier()

    def scat_wait(b):
        pltpu.make_async_copy(ones_v, acc_sh.at[idx_v.at[0]],
                              ssem.at[b]).wait()

    def step(t, _):
        b = lax.rem(t, NBUF)

        @pl.when(t >= NBUF)
        def _():
            scat_wait(b)

        pltpu.async_copy(ones_v, acc_sh.at[idx_v.at[t]], ssem.at[b],
                         add=True)
        return _

    lax.fori_loop(0, ncw, step, None)
    for t in range(NBUF):
        scat_wait(lax.rem(ncw - 1 - t, NBUF))
    plsc.subcore_barrier()

    def wb(j, _):
        r0 = s * RPS + j * CK
        pltpu.sync_copy(acc_sh.at[pl.ds(r0, CK)], ones_v)
        pltpu.sync_copy(ones_v, out_hbm.at[c, pl.ds(r0, CK)])
        return _

    lax.fori_loop(0, RPS // CK, wb, None)


_RB = 2000


def _prep_body(x_ref, w_ref, dp_ref, g_ref):
    h = jnp.dot(x_ref[...], w_ref[...], preferred_element_type=jnp.float32)
    deg = dp_ref[0, :, 0:1] + dp_ref[1, :, 0:1] + 1.0
    g_ref[...] = h * lax.rsqrt(deg)


def _tc_prep(x, W, degpart):
    return pl.pallas_call(
        _prep_body,
        grid=(N // _RB,),
        in_specs=[
            pl.BlockSpec((_RB, D), lambda i: (i, 0)),
            pl.BlockSpec((D, D), lambda i: (0, 0)),
            pl.BlockSpec((NC, _RB, DEGW), lambda i: (0, i, 0)),
        ],
        out_specs=pl.BlockSpec((_RB, D), lambda i: (i, 0)),
        out_shape=jax.ShapeDtypeStruct((N, D), jnp.float32),
    )(x, W, degpart)


@functools.partial(
    pl.kernel,
    out_type=jax.ShapeDtypeStruct((NC, NPAD, D), jnp.float32),
    mesh=plsc.VectorSubcoreMesh(**_MESH),
    scratch_types=[
        pltpu.VMEM((IB, CK), jnp.int32),
        pltpu.VMEM((IB, CK), jnp.int32),
        pltpu.VMEM((RB2, CK, D), jnp.float32),
        pltpu.VMEM_SHARED((NPAD, D), jnp.float32),
        pltpu.SemaphoreType.DMA((IB,)),
        pltpu.SemaphoreType.DMA((RB2,)),
        pltpu.SemaphoreType.DMA((RB2,)),
    ],
)
def _sc_edges(g_hbm, ei_hbm, out_hbm, sidx_v, didx_v, rows_v, acc_sh, isem,
              gsem, ssem):
    c = lax.axis_index("c")
    s = lax.axis_index("s")
    wid = c * NS + s
    ncw = jnp.where(wid < CREM, CPW + 1, CPW)

    def idx_start(t, ib):
        base = (wid + t * NW) * CK
        pltpu.make_async_copy(ei_hbm.at[pl.ds(base, CK)], sidx_v.at[ib],
                              isem.at[ib]).start()
        pltpu.make_async_copy(ei_hbm.at[pl.ds(E + base, CK)], didx_v.at[ib],
                              isem.at[ib]).start()

    def idx_wait(ib):
        pltpu.make_async_copy(ei_hbm.at[pl.ds(0, CK)], sidx_v.at[ib],
                              isem.at[ib]).wait()
        pltpu.make_async_copy(ei_hbm.at[pl.ds(0, CK)], didx_v.at[ib],
                              isem.at[ib]).wait()

    def gath(ib, b):
        return pltpu.make_async_copy(g_hbm.at[sidx_v.at[ib]], rows_v.at[b],
                                     gsem.at[b])

    def scat_wait(b):
        pltpu.make_async_copy(rows_v.at[b], acc_sh.at[didx_v.at[0]],
                              ssem.at[b]).wait()

    idx_start(0, 0)
    idx_start(1, 1)
    idx_start(2, 2)

    _zero_vmem_2d(rows_v.at[0], CK, D)

    def zinit(j, _):
        pltpu.sync_copy(rows_v.at[0], acc_sh.at[pl.ds(s * RPS + j * CK, CK)])
        return _

    lax.fori_loop(0, RPS // CK, zinit, None)
    plsc.subcore_barrier()

    idx_wait(0)
    gath(0, 0).start()

    def step(t, _):
        b = lax.rem(t, RB2)
        b1 = lax.rem(t + 1, RB2)

        @pl.when(t + 1 < ncw)
        def _():
            @pl.when(t + 1 >= RB2)
            def _():
                scat_wait(b1)

            @pl.when(t + 3 < ncw)
            def _():
                idx_start(t + 3, lax.rem(t + 3, IB))

            ib1 = lax.rem(t + 1, IB)
            idx_wait(ib1)
            gath(ib1, b1).start()

        gath(lax.rem(t, IB), b).wait()
        pltpu.async_copy(rows_v.at[b], acc_sh.at[didx_v.at[lax.rem(t, IB)]],
                         ssem.at[b], add=True)
        return _

    lax.fori_loop(0, ncw, step, None)
    for t in range(RB2):
        scat_wait(lax.rem(ncw - 1 - t, RB2))
    plsc.subcore_barrier()

    def wb(j, _):
        r0 = s * RPS + j * CK
        pltpu.sync_copy(acc_sh.at[pl.ds(r0, CK)], rows_v.at[0])
        pltpu.sync_copy(rows_v.at[0], out_hbm.at[c, pl.ds(r0, CK)])
        return _

    lax.fori_loop(0, RPS // CK, wb, None)


def _final_body(ap_ref, g_ref, dp_ref, b_ref, a_ref, o_ref):
    deg = dp_ref[0, :, 0:1] + dp_ref[1, :, 0:1] + 1.0
    dinv = lax.rsqrt(deg)
    z = dinv * (ap_ref[0] + ap_ref[1] + g_ref[...]) + b_ref[...]
    o_ref[...] = jnp.where(z >= 0, z, a_ref[0, 0] * z)


def _tc_final(accpart, g, degpart, b2, a2):
    return pl.pallas_call(
        _final_body,
        grid=(N // _RB,),
        in_specs=[
            pl.BlockSpec((NC, _RB, D), lambda i: (0, i, 0)),
            pl.BlockSpec((_RB, D), lambda i: (i, 0)),
            pl.BlockSpec((NC, _RB, DEGW), lambda i: (0, i, 0)),
            pl.BlockSpec((1, D), lambda i: (0, 0)),
            pl.BlockSpec((1, 1), lambda i: (0, 0)),
        ],
        out_specs=pl.BlockSpec((_RB, D), lambda i: (i, 0)),
        out_shape=jax.ShapeDtypeStruct((N, D), jnp.float32),
    )(accpart, g, degpart, b2, a2)


def kernel(x, edge_index, W, b, prelu_a):
    eiflat = edge_index.astype(jnp.int32).reshape(2 * E)
    degpart = _sc_degree(eiflat)
    g = _tc_prep(x, W, degpart)
    accpart = _sc_edges(g, eiflat)
    return _tc_final(accpart, g, degpart, b.reshape(1, D),
                     prelu_a.reshape(1, 1))

# --- scband reference (transcript-rebuilt; emitter-appended) ---
"""Pipeline reference for scband-gcnencoder-67336497266937 (READ-ONLY COPY).

The authoritative reference and input builder live on the scoring server;
editing this copy changes nothing except your own understanding.
"""

import jax, jax.numpy as jnp
import numpy as np

N = 10000
E = 320000
D_IN = 128
D_OUT = 128


def setup_inputs(seed: int = 0) -> dict:
    key = jax.random.key(seed)
    k1, k2, k3 = jax.random.split(key, 3)
    x = jax.random.normal(k1, (N, D_IN), dtype=jnp.float32)
    edge_index = jax.random.randint(k2, (2, E), 0, N, dtype=jnp.int32).astype(jnp.int64)
    # GCNConv weight (glorot) and bias (zeros), PReLU slope (PyTorch default 0.25)
    W = jax.random.normal(k3, (D_IN, D_OUT), dtype=jnp.float32) * np.sqrt(2.0 / (D_IN + D_OUT))
    b = jnp.zeros((D_OUT,), dtype=jnp.float32)
    prelu_a = jnp.full((1,), 0.25, dtype=jnp.float32)
    return {"x": x, "edge_index": edge_index, "W": W, "b": b, "prelu_a": prelu_a}


def reference(x, edge_index, W, b, prelu_a):
    num_nodes = x.shape[0]
    src = edge_index[0]
    dst = edge_index[1]
    # add self loops (PyG GCNConv default add_self_loops=True)
    loop = jnp.arange(num_nodes, dtype=src.dtype)
    src = jnp.concatenate([src, loop])
    dst = jnp.concatenate([dst, loop])
    # symmetric gcn normalization: D^{-1/2} A_hat D^{-1/2}
    ew = jnp.ones(src.shape[0], dtype=x.dtype)
    deg = jax.ops.segment_sum(ew, dst, num_segments=num_nodes)
    dinv = jnp.where(deg > 0, jax.lax.rsqrt(deg), 0.0)
    norm = dinv[src] * dinv[dst]
    # linear transform, gather, scale, scatter-add
    h = x @ W
    msg = h[src] * norm[:, None]
    out = jax.ops.segment_sum(msg, dst, num_segments=num_nodes) + b
    # PReLU activation
    return jnp.where(out >= 0, out, prelu_a * out)

if __name__ == "__main__":
    import jax
    _d = setup_inputs()
    print(jax.jit(kernel)(*tuple(_d.values())))

</pallas_src>

<mosaic_0001>
#map = affine_map<(d0, d1) -> (0)>
#map1 = affine_map<(d0, d1) -> (0, 0, 0)>
module attributes {stable_mosaic.version = 14 : i64} {
  func.func @_sc_degree(%arg0: i32, %arg1: i32, %arg2: memref<640000xi32, #tpu.memory_space<hbm>>, %arg3: memref<2x10240x16xf32, #tpu.memory_space<hbm>>, %arg4: memref<79x128xi32, #tpu.memory_space<vmem>>, %arg5: memref<128x16xf32, #tpu.memory_space<vmem>>, %arg6: memref<10240x16xf32, #tpu.memory_space<vmem_shared>>, %arg7: memref<3x!tpu.dma_semaphore, #tpu.memory_space<semaphore_mem>>, %arg8: memref<!tpu.dma_semaphore, #tpu.memory_space<semaphore_mem>>) attributes {dimension_semantics = [#tpu.dimension_semantics<core_parallel>, #tpu.dimension_semantics<subcore_parallel>], iteration_bounds = array<i64: 2, 16>, scalar_prefetch = 0 : i64, scratch_operands = 5 : i64, tpu.core_type = #tpu.core_type<sc_vector_subcore>, window_params = [{transform_indices = #map}, {transform_indices = #map1}]} {
    %mul3A = arith.constant 16 : i32
    %mul3A_0 = arith.muli %arg0, %mul3A : i32
    %add3A = arith.addi %mul3A_0, %arg1 : i32
    %lt3A = arith.constant 4 : i32
    %lt3A_1 = arith.cmpi slt, %add3A, %lt3A : i32
    %jit3A = arith.constant 79 : i32
    %jit3A_2 = arith.constant 78 : i32
    %select_n3A = arith.select %lt3A_1, %jit3A, %jit3A_2 : i32
    %while3A = arith.constant 0 : i32
    %while3A_3 = arith.subi %select_n3A, %while3A : i32
    %while3A_4 = arith.addi %while3A, %while3A_3 : i32
    %while3A_5 = arith.constant 1 : i32
    %while3A_6 = arith.divsi %while3A_3, %while3A_5 : i32
    %while3A_7 = arith.muli %while3A_6, %while3A_5 : i32
    %while3A_8 = arith.addi %while3A, %while3A_7 : i32
    %while3A_9 = arith.constant 1 : i32
    scf.for %while3A_94 = %while3A to %while3A_8 step %while3A_9  : i32 {
      %mul3A_95 = arith.constant 32 : i32
      %mul3A_96 = arith.muli %while3A_94, %mul3A_95 : i32
      %add3A_97 = arith.addi %add3A, %mul3A_96 : i32
      %mul3A_98 = arith.constant 128 : i32
      %mul3A_99 = arith.muli %add3A_97, %mul3A_98 : i32
      %add3A_100 = arith.constant 320000 : i32
      %add3A_101 = arith.addi %add3A_100, %mul3A_99 : i32
      %dma_start3A = arith.constant 0 : i32
      %dma_start3A_102 = tpu.memref_slice %arg4[%while3A_94, %dma_start3A] : memref<79x128xi32, #tpu.memory_space<vmem>> -> memref<1x128xi32, #tpu.memory_space<vmem>>
      %dma_start3A_103 = tpu.memref_squeeze %dma_start3A_102 : memref<1x128xi32, #tpu.memory_space<vmem>> -> memref<128xi32, #tpu.memory_space<vmem>>
      %dma_start3A_104 = tpu.memref_slice %arg2[%add3A_101] : memref<640000xi32, #tpu.memory_space<hbm>> -> memref<128xi32, #tpu.memory_space<hbm>>
      %dma_start3A_105 = arith.constant 0 : i32
      %dma_start3A_106 = tpu.memref_slice %arg4[%while3A_94, %dma_start3A_105] : memref<79x128xi32, #tpu.memory_space<vmem>> -> memref<1x128xi32, #tpu.memory_space<vmem>>
      %dma_start3A_107 = tpu.memref_squeeze %dma_start3A_106 : memref<1x128xi32, #tpu.memory_space<vmem>> -> memref<128xi32, #tpu.memory_space<vmem>>
      %dma_start3A_108 = tpu.memref_slice %arg2[%add3A_101] : memref<640000xi32, #tpu.memory_space<hbm>> -> memref<128xi32, #tpu.memory_space<hbm>>
      tpu.enqueue_dma source(%dma_start3A_108 : memref<128xi32, #tpu.memory_space<hbm>>) target(%dma_start3A_107 : memref<128xi32, #tpu.memory_space<vmem>>) target_semaphore(%arg8 : memref<!tpu.dma_semaphore, #tpu.memory_space<semaphore_mem>>)
    }
    %while3A_10 = arith.constant 1 : i32
    scf.for %while3A_94 = %while3A_8 to %while3A_4 step %while3A_10  : i32 {
      %mul3A_95 = arith.constant 32 : i32
      %mul3A_96 = arith.muli %while3A_94, %mul3A_95 : i32
      %add3A_97 = arith.addi %add3A, %mul3A_96 : i32
      %mul3A_98 = arith.constant 128 : i32
      %mul3A_99 = arith.muli %add3A_97, %mul3A_98 : i32
      %add3A_100 = arith.constant 320000 : i32
      %add3A_101 = arith.addi %add3A_100, %mul3A_99 : i32
      %dma_start3A = arith.constant 0 : i32
      %dma_start3A_102 = tpu.memref_slice %arg4[%while3A_94, %dma_start3A] : memref<79x128xi32, #tpu.memory_space<vmem>> -> memref<1x128xi32, #tpu.memory_space<vmem>>
      %dma_start3A_103 = tpu.memref_squeeze %dma_start3A_102 : memref<1x128xi32, #tpu.memory_space<vmem>> -> memref<128xi32, #tpu.memory_space<vmem>>
      %dma_start3A_104 = tpu.memref_slice %arg2[%add3A_101] : memref<640000xi32, #tpu.memory_space<hbm>> -> memref<128xi32, #tpu.memory_space<hbm>>
      %dma_start3A_105 = arith.constant 0 : i32
      %dma_start3A_106 = tpu.memref_slice %arg4[%while3A_94, %dma_start3A_105] : memref<79x128xi32, #tpu.memory_space<vmem>> -> memref<1x128xi32, #tpu.memory_space<vmem>>
      %dma_start3A_107 = tpu.memref_squeeze %dma_start3A_106 : memref<1x128xi32, #tpu.memory_space<vmem>> -> memref<128xi32, #tpu.memory_space<vmem>>
      %dma_start3A_108 = tpu.memref_slice %arg2[%add3A_101] : memref<640000xi32, #tpu.memory_space<hbm>> -> memref<128xi32, #tpu.memory_space<hbm>>
      tpu.enqueue_dma source(%dma_start3A_108 : memref<128xi32, #tpu.memory_space<hbm>>) target(%dma_start3A_107 : memref<128xi32, #tpu.memory_space<vmem>>) target_semaphore(%arg8 : memref<!tpu.dma_semaphore, #tpu.memory_space<semaphore_mem>>)
    }
    %broadcast_in_dim3A = arith.constant 0.000000e+00 : f32
    %broadcast_in_dim3A_11 = vector.broadcast %broadcast_in_dim3A : f32 to vector<16xf32>
    %scan3A = arith.constant 0 : i32
    %scan3A_12 = arith.constant 128 : i32
    %scan3A_13 = arith.addi %scan3A, %scan3A_12 : i32
    %scan3A_14 = arith.constant 1 : i32
    scf.for %scan3A_94 = %scan3A to %scan3A_13 step %scan3A_14  : i32 {
      %jit3A_95 = arith.constant 1 : i32
      %div3A = arith.divsi %scan3A_94, %jit3A_95 : i32
      %sign3A = arith.constant 0 : i32
      %sign3A_96 = arith.cmpi sgt, %scan3A_94, %sign3A : i32
      %sign3A_97 = arith.extui %sign3A_96 : i1 to i32
      %sign3A_98 = arith.constant 0 : i32
      %sign3A_99 = arith.cmpi slt, %scan3A_94, %sign3A_98 : i32
      %sign3A_100 = arith.extui %sign3A_99 : i1 to i32
      %sign3A_101 = arith.subi %sign3A_97, %sign3A_100 : i32
      %sign3A_102 = arith.constant 0 : i32
      %sign3A_103 = arith.cmpi sgt, %jit3A_95, %sign3A_102 : i32
      %sign3A_104 = arith.extui %sign3A_103 : i1 to i32
      %sign3A_105 = arith.constant 0 : i32
      %sign3A_106 = arith.cmpi slt, %jit3A_95, %sign3A_105 : i32
      %sign3A_107 = arith.extui %sign3A_106 : i1 to i32
      %sign3A_108 = arith.subi %sign3A_104, %sign3A_107 : i32
      %ne3A = arith.cmpi ne, %sign3A_101, %sign3A_108 : i32
      %rem3A_109 = arith.remsi %scan3A_94, %jit3A_95 : i32
      %ne3A_110 = arith.constant 0 : i32
      %ne3A_111 = arith.cmpi ne, %rem3A_109, %ne3A_110 : i32
      %and3A = arith.andi %ne3A, %ne3A_111 : i1
      %sub3A_112 = arith.constant 1 : i32
      %sub3A_113 = arith.subi %div3A, %sub3A_112 : i32
      %select_n3A_114 = arith.select %and3A, %sub3A_113, %div3A : i32
      %jit3A_115 = arith.constant 1 : i32
      %eq3A = arith.constant 0 : i32
      %eq3A_116 = arith.cmpi eq, %jit3A_115, %eq3A : i32
      %jit3A_117 = arith.constant 1 : i32
      %select_n3A_118 = arith.select %eq3A_116, %jit3A_117, %jit3A_115 : i32
      %rem3A_119 = arith.remsi %scan3A_94, %select_n3A_118 : i32
      %ne3A_120 = arith.constant 0 : i32
      %ne3A_121 = arith.cmpi ne, %rem3A_119, %ne3A_120 : i32
      %lt3A_122 = arith.constant 0 : i32
      %lt3A_123 = arith.cmpi slt, %rem3A_119, %lt3A_122 : i32
      %lt3A_124 = arith.constant 0 : i32
      %lt3A_125 = arith.cmpi slt, %select_n3A_118, %lt3A_124 : i32
      %ne3A_126 = arith.xori %lt3A_123, %lt3A_125 : i1
      %and3A_127 = arith.andi %ne3A_126, %ne3A_121 : i1
      %add3A_128 = arith.addi %rem3A_119, %select_n3A_118 : i32
      %select_n3A_129 = arith.select %and3A_127, %add3A_128, %rem3A_119 : i32
      %mul3A_130 = arith.constant 16 : i32
      %mul3A_131 = arith.muli %select_n3A_129, %mul3A_130 : i32
      %swap3A = arith.index_cast %select_n3A_114 : i32 to index
      %swap3A_132 = arith.index_cast %mul3A_131 : i32 to index
      %swap3A_133 = tpu.vector_load %arg5[%swap3A, %swap3A_132] {strides = array<i32>} : memref<128x16xf32, #tpu.memory_space<vmem>>, vector<1x16xf32>,
      %swap3A_134 = vector.shape_cast %swap3A_133 : vector<1x16xf32> to vector<16xf32>
      %swap3A_135 = vector.shape_cast %broadcast_in_dim3A_11 : vector<16xf32> to vector<1x16xf32>
      tpu.vector_store %arg5[%swap3A, %swap3A_132], %swap3A_135 {strides = array<i32>} : memref<128x16xf32, #tpu.memory_space<vmem>>, vector<1x16xf32>,
    }
    %scan3A_15 = arith.constant 128 : i32
    %scan3A_16 = arith.constant 0 : i32
    %scan3A_17 = arith.constant 5 : i32
    %scan3A_18 = arith.addi %scan3A_16, %scan3A_17 : i32
    %scan3A_19 = arith.constant 1 : i32
    scf.for %scan3A_94 = %scan3A_16 to %scan3A_18 step %scan3A_19  : i32 {
      %mul3A_95 = arith.constant 640 : i32
      %mul3A_96 = arith.muli %arg1, %mul3A_95 : i32
      %mul3A_97 = arith.constant 128 : i32
      %mul3A_98 = arith.muli %scan3A_94, %mul3A_97 : i32
      %add3A_99 = arith.addi %mul3A_96, %mul3A_98 : i32
      "tpu.region"() ({
        %run_scoped3A = tpu.sem_alloc : memref<!tpu.dma_semaphore, #tpu.memory_space<semaphore_mem>>
        %dma_start3A = arith.constant 0 : i32
        %dma_start3A_100 = tpu.memref_slice %arg6[%add3A_99, %dma_start3A] : memref<10240x16xf32, #tpu.memory_space<vmem_shared>> -> memref<128x16xf32, #tpu.memory_space<vmem_shared>>
        %dma_start3A_101 = arith.constant 0 : i32
        %dma_start3A_102 = tpu.memref_slice %arg6[%add3A_99, %dma_start3A_101] : memref<10240x16xf32, #tpu.memory_space<vmem_shared>> -> memref<128x16xf32, #tpu.memory_space<vmem_shared>>
        tpu.enqueue_dma source(%arg5 : memref<128x16xf32, #tpu.memory_space<vmem>>) target(%dma_start3A_102 : memref<128x16xf32, #tpu.memory_space<vmem_shared>>) target_semaphore(%run_scoped3A : memref<!tpu.dma_semaphore, #tpu.memory_space<semaphore_mem>>)
        %dma_wait3A_103 = arith.constant 0 : i32
        %dma_wait3A_104 = tpu.memref_slice %arg6[%add3A_99, %dma_wait3A_103] : memref<10240x16xf32, #tpu.memory_space<vmem_shared>> -> memref<128x16xf32, #tpu.memory_space<vmem_shared>>
        %dma_wait3A_105 = arith.constant 0 : i32
        %dma_wait3A_106 = tpu.memref_slice %arg6[%add3A_99, %dma_wait3A_105] : memref<10240x16xf32, #tpu.memory_space<vmem_shared>> -> memref<128x16xf32, #tpu.memory_space<vmem_shared>>
        tpu.wait_dma2 semaphore(%run_scoped3A : memref<!tpu.dma_semaphore, #tpu.memory_space<semaphore_mem>>) src(%arg5 : memref<128x16xf32, #tpu.memory_space<vmem>>) dst(%dma_wait3A_106 : memref<128x16xf32, #tpu.memory_space<vmem_shared>>)
        tpu.yield
      }) : () -> ()
    }
    %scan3A_20 = arith.constant 5 : i32
    %broadcast_in_dim3A_21 = arith.constant 1.000000e+00 : f32
    %broadcast_in_dim3A_22 = vector.broadcast %broadcast_in_dim3A_21 : f32 to vector<16xf32>
    %scan3A_23 = arith.constant 0 : i32
    %scan3A_24 = arith.constant 128 : i32
    %scan3A_25 = arith.addi %scan3A_23, %scan3A_24 : i32
    %scan3A_26 = arith.constant 1 : i32
    scf.for %scan3A_94 = %scan3A_23 to %scan3A_25 step %scan3A_26  : i32 {
      %swap3A = arith.index_cast %scan3A_94 : i32 to index
      %swap3A_95 = arith.constant 0 : index
      %swap3A_96 = tpu.vector_load %arg5[%swap3A, %swap3A_95] {strides = array<i32>} : memref<128x16xf32, #tpu.memory_space<vmem>>, vector<1x16xf32>,
      %swap3A_97 = vector.shape_cast %swap3A_96 : vector<1x16xf32> to vector<16xf32>
      %swap3A_98 = vector.shape_cast %broadcast_in_dim3A_22 : vector<16xf32> to vector<1x16xf32>
      tpu.vector_store %arg5[%swap3A, %swap3A_95], %swap3A_98 {strides = array<i32>} : memref<128x16xf32, #tpu.memory_space<vmem>>, vector<1x16xf32>,
    }
    %scan3A_27 = arith.constant 128 : i32
    %while3A_28 = arith.constant 0 : i32
    %while3A_29 = arith.subi %select_n3A, %while3A_28 : i32
    %while3A_30 = arith.addi %while3A_28, %while3A_29 : i32
    %while3A_31 = arith.constant 1 : i32
    %while3A_32 = arith.divsi %while3A_29, %while3A_31 : i32
    %while3A_33 = arith.muli %while3A_32, %while3A_31 : i32
    %while3A_34 = arith.addi %while3A_28, %while3A_33 : i32
    %while3A_35 = arith.constant 1 : i32
    scf.for %while3A_94 = %while3A_28 to %while3A_34 step %while3A_35  : i32 {
      %mul3A_95 = arith.constant 128 : i32
      %mul3A_96 = arith.muli %add3A, %mul3A_95 : i32
      %add3A_97 = arith.constant 320000 : i32
      %add3A_98 = arith.addi %add3A_97, %mul3A_96 : i32
      %dma_wait3A_99 = arith.constant 0 : i32
      %dma_wait3A_100 = arith.constant 0 : i32
      %dma_wait3A_101 = tpu.memref_slice %arg4[%dma_wait3A_99, %dma_wait3A_100] : memref<79x128xi32, #tpu.memory_space<vmem>> -> memref<1x128xi32, #tpu.memory_space<vmem>>
      %dma_wait3A_102 = tpu.memref_squeeze %dma_wait3A_101 : memref<1x128xi32, #tpu.memory_space<vmem>> -> memref<128xi32, #tpu.memory_space<vmem>>
      %dma_wait3A_103 = tpu.memref_slice %arg2[%add3A_98] : memref<640000xi32, #tpu.memory_space<hbm>> -> memref<128xi32, #tpu.memory_space<hbm>>
      %dma_wait3A_104 = arith.constant 0 : i32
      %dma_wait3A_105 = tpu.memref_slice %arg4[%dma_wait3A_99, %dma_wait3A_104] : memref<79x128xi32, #tpu.memory_space<vmem>> -> memref<1x128xi32, #tpu.memory_space<vmem>>
      %dma_wait3A_106 = tpu.memref_squeeze %dma_wait3A_105 : memref<1x128xi32, #tpu.memory_space<vmem>> -> memref<128xi32, #tpu.memory_space<vmem>>
      %dma_wait3A_107 = tpu.memref_slice %arg2[%add3A_98] : memref<640000xi32, #tpu.memory_space<hbm>> -> memref<128xi32, #tpu.memory_space<hbm>>
      tpu.wait_dma2 semaphore(%arg8 : memref<!tpu.dma_semaphore, #tpu.memory_space<semaphore_mem>>) src(%dma_wait3A_107 : memref<128xi32, #tpu.memory_space<hbm>>) dst(%dma_wait3A_106 : memref<128xi32, #tpu.memory_space<vmem>>)
    }
    %while3A_36 = arith.constant 1 : i32
    scf.for %while3A_94 = %while3A_34 to %while3A_30 step %while3A_36  : i32 {
      %mul3A_95 = arith.constant 128 : i32
      %mul3A_96 = arith.muli %add3A, %mul3A_95 : i32
      %add3A_97 = arith.constant 320000 : i32
      %add3A_98 = arith.addi %add3A_97, %mul3A_96 : i32
      %dma_wait3A_99 = arith.constant 0 : i32
      %dma_wait3A_100 = arith.constant 0 : i32
      %dma_wait3A_101 = tpu.memref_slice %arg4[%dma_wait3A_99, %dma_wait3A_100] : memref<79x128xi32, #tpu.memory_space<vmem>> -> memref<1x128xi32, #tpu.memory_space<vmem>>
      %dma_wait3A_102 = tpu.memref_squeeze %dma_wait3A_101 : memref<1x128xi32, #tpu.memory_space<vmem>> -> memref<128xi32, #tpu.memory_space<vmem>>
      %dma_wait3A_103 = tpu.memref_slice %arg2[%add3A_98] : memref<640000xi32, #tpu.memory_space<hbm>> -> memref<128xi32, #tpu.memory_space<hbm>>
      %dma_wait3A_104 = arith.constant 0 : i32
      %dma_wait3A_105 = tpu.memref_slice %arg4[%dma_wait3A_99, %dma_wait3A_104] : memref<79x128xi32, #tpu.memory_space<vmem>> -> memref<1x128xi32, #tpu.memory_space<vmem>>
      %dma_wait3A_106 = tpu.memref_squeeze %dma_wait3A_105 : memref<1x128xi32, #tpu.memory_space<vmem>> -> memref<128xi32, #tpu.memory_space<vmem>>
      %dma_wait3A_107 = tpu.memref_slice %arg2[%add3A_98] : memref<640000xi32, #tpu.memory_space<hbm>> -> memref<128xi32, #tpu.memory_space<hbm>>
      tpu.wait_dma2 semaphore(%arg8 : memref<!tpu.dma_semaphore, #tpu.memory_space<semaphore_mem>>) src(%dma_wait3A_107 : memref<128xi32, #tpu.memory_space<hbm>>) dst(%dma_wait3A_106 : memref<128xi32, #tpu.memory_space<vmem>>)
    }
    %barrier3A = arith.constant 0 : index
    tpu.barrier barrier_id(%barrier3A)
    %while3A_37 = arith.constant 0 : i32
    %while3A_38 = arith.subi %select_n3A, %while3A_37 : i32
    %while3A_39 = arith.addi %while3A_37, %while3A_38 : i32
    %while3A_40 = arith.constant 1 : i32
    %while3A_41 = arith.divsi %while3A_38, %while3A_40 : i32
    %while3A_42 = arith.muli %while3A_41, %while3A_40 : i32
    %while3A_43 = arith.addi %while3A_37, %while3A_42 : i32
    %while3A_44 = arith.constant 1 : i32
    scf.for %while3A_94 = %while3A_37 to %while3A_43 step %while3A_44  : i32 {
      %rem3A_95 = arith.constant 3 : i32
      %rem3A_96 = arith.remsi %while3A_94, %rem3A_95 : i32
      %ge3A = arith.constant 3 : i32
      %ge3A_97 = arith.cmpi sge, %while3A_94, %ge3A : i32
      %convert_element_type3A = arith.extui %ge3A_97 : i1 to i32
      %cond3A = arith.constant 0 : i32
      %cond3A_98 = arith.cmpi ne, %convert_element_type3A, %cond3A : i32
      scf.if %cond3A_98 {
        %dma_wait3A_106 = arith.constant 0 : i32
        %dma_wait3A_107 = arith.constant 0 : i32
        %dma_wait3A_108 = tpu.memref_slice %arg4[%dma_wait3A_106, %dma_wait3A_107] : memref<79x128xi32, #tpu.memory_space<vmem>> -> memref<1x128xi32, #tpu.memory_space<vmem>>
        %dma_wait3A_109 = tpu.memref_squeeze %dma_wait3A_108 : memref<1x128xi32, #tpu.memory_space<vmem>> -> memref<128xi32, #tpu.memory_space<vmem>>
        %dma_wait3A_110 = arith.constant 0 : i32
        %dma_wait3A_111 = arith.constant 0 : i32
        %dma_wait3A_112 = tpu.memref_slice %arg6[%dma_wait3A_110, %dma_wait3A_111] : memref<10240x16xf32, #tpu.memory_space<vmem_shared>> -> memref<10240x16xf32, #tpu.memory_space<vmem_shared>>
        %dma_wait3A_113 = tpu.memref_slice %arg7[%rem3A_96] : memref<3x!tpu.dma_semaphore, #tpu.memory_space<semaphore_mem>> -> memref<1x!tpu.dma_semaphore, #tpu.memory_space<semaphore_mem>>
        %dma_wait3A_114 = tpu.memref_squeeze %dma_wait3A_113 : memref<1x!tpu.dma_semaphore, #tpu.memory_space<semaphore_mem>> -> memref<!tpu.dma_semaphore, #tpu.memory_space<semaphore_mem>>
        tpu.wait_indirect_dma semaphore(%dma_wait3A_114 : memref<!tpu.dma_semaphore, #tpu.memory_space<semaphore_mem>>) src(%arg5 : memref<128x16xf32, #tpu.memory_space<vmem>>) dst(%dma_wait3A_112 : memref<10240x16xf32, #tpu.memory_space<vmem_shared>>)
      } else {
      }
      %dma_start3A = arith.constant 0 : i32
      %dma_start3A_99 = tpu.memref_slice %arg4[%while3A_94, %dma_start3A] : memref<79x128xi32, #tpu.memory_space<vmem>> -> memref<1x128xi32, #tpu.memory_space<vmem>>
      %dma_start3A_100 = tpu.memref_squeeze %dma_start3A_99 : memref<1x128xi32, #tpu.memory_space<vmem>> -> memref<128xi32, #tpu.memory_space<vmem>>
      %dma_start3A_101 = arith.constant 0 : i32
      %dma_start3A_102 = arith.constant 0 : i32
      %dma_start3A_103 = tpu.memref_slice %arg6[%dma_start3A_101, %dma_start3A_102] : memref<10240x16xf32, #tpu.memory_space<vmem_shared>> -> memref<10240x16xf32, #tpu.memory_space<vmem_shared>>
      %dma_start3A_104 = tpu.memref_slice %arg7[%rem3A_96] : memref<3x!tpu.dma_semaphore, #tpu.memory_space<semaphore_mem>> -> memref<1x!tpu.dma_semaphore, #tpu.memory_space<semaphore_mem>>
      %dma_start3A_105 = tpu.memref_squeeze %dma_start3A_104 : memref<1x!tpu.dma_semaphore, #tpu.memory_space<semaphore_mem>> -> memref<!tpu.dma_semaphore, #tpu.memory_space<semaphore_mem>>
      tpu.enqueue_indirect_dma source(%arg5 : memref<128x16xf32, #tpu.memory_space<vmem>>) target(%dma_start3A_103 : memref<10240x16xf32, #tpu.memory_space<vmem_shared>>) offsets(%dma_start3A_100 : memref<128xi32, #tpu.memory_space<vmem>>) semaphore(%dma_start3A_105 : memref<!tpu.dma_semaphore, #tpu.memory_space<semaphore_mem>>) {add = true}
    }
    %while3A_45 = arith.constant 1 : i32
    scf.for %while3A_94 = %while3A_43 to %while3A_39 step %while3A_45  : i32 {
      %rem3A_95 = arith.constant 3 : i32
      %rem3A_96 = arith.remsi %while3A_94, %rem3A_95 : i32
      %ge3A = arith.constant 3 : i32
      %ge3A_97 = arith.cmpi sge, %while3A_94, %ge3A : i32
      %convert_element_type3A = arith.extui %ge3A_97 : i1 to i32
      %cond3A = arith.constant 0 : i32
      %cond3A_98 = arith.cmpi ne, %convert_element_type3A, %cond3A : i32
      scf.if %cond3A_98 {
        %dma_wait3A_106 = arith.constant 0 : i32
        %dma_wait3A_107 = arith.constant 0 : i32
        %dma_wait3A_108 = tpu.memref_slice %arg4[%dma_wait3A_106, %dma_wait3A_107] : memref<79x128xi32, #tpu.memory_space<vmem>> -> memref<1x128xi32, #tpu.memory_space<vmem>>
        %dma_wait3A_109 = tpu.memref_squeeze %dma_wait3A_108 : memref<1x128xi32, #tpu.memory_space<vmem>> -> memref<128xi32, #tpu.memory_space<vmem>>
        %dma_wait3A_110 = arith.constant 0 : i32
        %dma_wait3A_111 = arith.constant 0 : i32
        %dma_wait3A_112 = tpu.memref_slice %arg6[%dma_wait3A_110, %dma_wait3A_111] : memref<10240x16xf32, #tpu.memory_space<vmem_shared>> -> memref<10240x16xf32, #tpu.memory_space<vmem_shared>>
        %dma_wait3A_113 = tpu.memref_slice %arg7[%rem3A_96] : memref<3x!tpu.dma_semaphore, #tpu.memory_space<semaphore_mem>> -> memref<1x!tpu.dma_semaphore, #tpu.memory_space<semaphore_mem>>
        %dma_wait3A_114 = tpu.memref_squeeze %dma_wait3A_113 : memref<1x!tpu.dma_semaphore, #tpu.memory_space<semaphore_mem>> -> memref<!tpu.dma_semaphore, #tpu.memory_space<semaphore_mem>>
        tpu.wait_indirect_dma semaphore(%dma_wait3A_114 : memref<!tpu.dma_semaphore, #tpu.memory_space<semaphore_mem>>) src(%arg5 : memref<128x16xf32, #tpu.memory_space<vmem>>) dst(%dma_wait3A_112 : memref<10240x16xf32, #tpu.memory_space<vmem_shared>>)
      } else {
      }
      %dma_start3A = arith.constant 0 : i32
      %dma_start3A_99 = tpu.memref_slice %arg4[%while3A_94, %dma_start3A] : memref<79x128xi32, #tpu.memory_space<vmem>> -> memref<1x128xi32, #tpu.memory_space<vmem>>
      %dma_start3A_100 = tpu.memref_squeeze %dma_start3A_99 : memref<1x128xi32, #tpu.memory_space<vmem>> -> memref<128xi32, #tpu.memory_space<vmem>>
      %dma_start3A_101 = arith.constant 0 : i32
      %dma_start3A_102 = arith.constant 0 : i32
      %dma_start3A_103 = tpu.memref_slice %arg6[%dma_start3A_101, %dma_start3A_102] : memref<10240x16xf32, #tpu.memory_space<vmem_shared>> -> memref<10240x16xf32, #tpu.memory_space<vmem_shared>>
      %dma_start3A_104 = tpu.memref_slice %arg7[%rem3A_96] : memref<3x!tpu.dma_semaphore, #tpu.memory_space<semaphore_mem>> -> memref<1x!tpu.dma_semaphore, #tpu.memory_space<semaphore_mem>>
      %dma_start3A_105 = tpu.memref_squeeze %dma_start3A_104 : memref<1x!tpu.dma_semaphore, #tpu.memory_space<semaphore_mem>> -> memref<!tpu.dma_semaphore, #tpu.memory_space<semaphore_mem>>
      tpu.enqueue_indirect_dma source(%arg5 : memref<128x16xf32, #tpu.memory_space<vmem>>) target(%dma_start3A_103 : memref<10240x16xf32, #tpu.memory_space<vmem_shared>>) offsets(%dma_start3A_100 : memref<128xi32, #tpu.memory_space<vmem>>) semaphore(%dma_start3A_105 : memref<!tpu.dma_semaphore, #tpu.memory_space<semaphore_mem>>) {add = true}
    }
    %sub3A = arith.constant 1 : i32
    %sub3A_46 = arith.subi %select_n3A, %sub3A : i32
    %sub3A_47 = arith.constant 0 : i32
    %sub3A_48 = arith.subi %sub3A_46, %sub3A_47 : i32
    %rem3A = arith.constant 3 : i32
    %rem3A_49 = arith.remsi %sub3A_48, %rem3A : i32
    %dma_wait3A = arith.constant 0 : i32
    %dma_wait3A_50 = arith.constant 0 : i32
    %dma_wait3A_51 = tpu.memref_slice %arg4[%dma_wait3A, %dma_wait3A_50] : memref<79x128xi32, #tpu.memory_space<vmem>> -> memref<1x128xi32, #tpu.memory_space<vmem>>
    %dma_wait3A_52 = tpu.memref_squeeze %dma_wait3A_51 : memref<1x128xi32, #tpu.memory_space<vmem>> -> memref<128xi32, #tpu.memory_space<vmem>>
    %dma_wait3A_53 = arith.constant 0 : i32
    %dma_wait3A_54 = arith.constant 0 : i32
    %dma_wait3A_55 = tpu.memref_slice %arg6[%dma_wait3A_53, %dma_wait3A_54] : memref<10240x16xf32, #tpu.memory_space<vmem_shared>> -> memref<10240x16xf32, #tpu.memory_space<vmem_shared>>
    %dma_wait3A_56 = tpu.memref_slice %arg7[%rem3A_49] : memref<3x!tpu.dma_semaphore, #tpu.memory_space<semaphore_mem>> -> memref<1x!tpu.dma_semaphore, #tpu.memory_space<semaphore_mem>>
    %dma_wait3A_57 = tpu.memref_squeeze %dma_wait3A_56 : memref<1x!tpu.dma_semaphore, #tpu.memory_space<semaphore_mem>> -> memref<!tpu.dma_semaphore, #tpu.memory_space<semaphore_mem>>
    tpu.wait_indirect_dma semaphore(%dma_wait3A_57 : memref<!tpu.dma_semaphore, #tpu.memory_space<semaphore_mem>>) src(%arg5 : memref<128x16xf32, #tpu.memory_space<vmem>>) dst(%dma_wait3A_55 : memref<10240x16xf32, #tpu.memory_space<vmem_shared>>)
    %sub3A_58 = arith.constant 1 : i32
    %sub3A_59 = arith.subi %select_n3A, %sub3A_58 : i32
    %sub3A_60 = arith.constant 1 : i32
    %sub3A_61 = arith.subi %sub3A_59, %sub3A_60 : i32
    %rem3A_62 = arith.constant 3 : i32
    %rem3A_63 = arith.remsi %sub3A_61, %rem3A_62 : i32
    %dma_wait3A_64 = arith.constant 0 : i32
    %dma_wait3A_65 = arith.constant 0 : i32
    %dma_wait3A_66 = tpu.memref_slice %arg4[%dma_wait3A_64, %dma_wait3A_65] : memref<79x128xi32, #tpu.memory_space<vmem>> -> memref<1x128xi32, #tpu.memory_space<vmem>>
    %dma_wait3A_67 = tpu.memref_squeeze %dma_wait3A_66 : memref<1x128xi32, #tpu.memory_space<vmem>> -> memref<128xi32, #tpu.memory_space<vmem>>
    %dma_wait3A_68 = arith.constant 0 : i32
    %dma_wait3A_69 = arith.constant 0 : i32
    %dma_wait3A_70 = tpu.memref_slice %arg6[%dma_wait3A_68, %dma_wait3A_69] : memref<10240x16xf32, #tpu.memory_space<vmem_shared>> -> memref<10240x16xf32, #tpu.memory_space<vmem_shared>>
    %dma_wait3A_71 = tpu.memref_slice %arg7[%rem3A_63] : memref<3x!tpu.dma_semaphore, #tpu.memory_space<semaphore_mem>> -> memref<1x!tpu.dma_semaphore, #tpu.memory_space<semaphore_mem>>
    %dma_wait3A_72 = tpu.memref_squeeze %dma_wait3A_71 : memref<1x!tpu.dma_semaphore, #tpu.memory_space<semaphore_mem>> -> memref<!tpu.dma_semaphore, #tpu.memory_space<semaphore_mem>>
    tpu.wait_indirect_dma semaphore(%dma_wait3A_72 : memref<!tpu.dma_semaphore, #tpu.memory_space<semaphore_mem>>) src(%arg5 : memref<128x16xf32, #tpu.memory_space<vmem>>) dst(%dma_wait3A_70 : memref<10240x16xf32, #tpu.memory_space<vmem_shared>>)
    %sub3A_73 = arith.constant 1 : i32
    %sub3A_74 = arith.subi %select_n3A, %sub3A_73 : i32
    %sub3A_75 = arith.constant 2 : i32
    %sub3A_76 = arith.subi %sub3A_74, %sub3A_75 : i32
    %rem3A_77 = arith.constant 3 : i32
    %rem3A_78 = arith.remsi %sub3A_76, %rem3A_77 : i32
    %dma_wait3A_79 = arith.constant 0 : i32
    %dma_wait3A_80 = arith.constant 0 : i32
    %dma_wait3A_81 = tpu.memref_slice %arg4[%dma_wait3A_79, %dma_wait3A_80] : memref<79x128xi32, #tpu.memory_space<vmem>> -> memref<1x128xi32, #tpu.memory_space<vmem>>
    %dma_wait3A_82 = tpu.memref_squeeze %dma_wait3A_81 : memref<1x128xi32, #tpu.memory_space<vmem>> -> memref<128xi32, #tpu.memory_space<vmem>>
    %dma_wait3A_83 = arith.constant 0 : i32
    %dma_wait3A_84 = arith.constant 0 : i32
    %dma_wait3A_85 = tpu.memref_slice %arg6[%dma_wait3A_83, %dma_wait3A_84] : memref<10240x16xf32, #tpu.memory_space<vmem_shared>> -> memref<10240x16xf32, #tpu.memory_space<vmem_shared>>
    %dma_wait3A_86 = tpu.memref_slice %arg7[%rem3A_78] : memref<3x!tpu.dma_semaphore, #tpu.memory_space<semaphore_mem>> -> memref<1x!tpu.dma_semaphore, #tpu.memory_space<semaphore_mem>>
    %dma_wait3A_87 = tpu.memref_squeeze %dma_wait3A_86 : memref<1x!tpu.dma_semaphore, #tpu.memory_space<semaphore_mem>> -> memref<!tpu.dma_semaphore, #tpu.memory_space<semaphore_mem>>
    tpu.wait_indirect_dma semaphore(%dma_wait3A_87 : memref<!tpu.dma_semaphore, #tpu.memory_space<semaphore_mem>>) src(%arg5 : memref<128x16xf32, #tpu.memory_space<vmem>>) dst(%dma_wait3A_85 : memref<10240x16xf32, #tpu.memory_space<vmem_shared>>)
    %barrier3A_88 = arith.constant 0 : index
    tpu.barrier barrier_id(%barrier3A_88)
    %scan3A_89 = arith.constant 0 : i32
    %scan3A_90 = arith.constant 5 : i32
    %scan3A_91 = arith.addi %scan3A_89, %scan3A_90 : i32
    %scan3A_92 = arith.constant 1 : i32
    scf.for %scan3A_94 = %scan3A_89 to %scan3A_91 step %scan3A_92  : i32 {
      %mul3A_95 = arith.constant 640 : i32
      %mul3A_96 = arith.muli %arg1, %mul3A_95 : i32
      %mul3A_97 = arith.constant 128 : i32
      %mul3A_98 = arith.muli %scan3A_94, %mul3A_97 : i32
      %add3A_99 = arith.addi %mul3A_96, %mul3A_98 : i32
      "tpu.region"() ({
        %run_scoped3A = tpu.sem_alloc : memref<!tpu.dma_semaphore, #tpu.memory_space<semaphore_mem>>
        %dma_start3A = arith.constant 0 : i32
        %dma_start3A_100 = tpu.memref_slice %arg6[%add3A_99, %dma_start3A] : memref<10240x16xf32, #tpu.memory_space<vmem_shared>> -> memref<128x16xf32, #tpu.memory_space<vmem_shared>>
        %dma_start3A_101 = arith.constant 0 : i32
        %dma_start3A_102 = tpu.memref_slice %arg6[%add3A_99, %dma_start3A_101] : memref<10240x16xf32, #tpu.memory_space<vmem_shared>> -> memref<128x16xf32, #tpu.memory_space<vmem_shared>>
        tpu.enqueue_dma source(%dma_start3A_102 : memref<128x16xf32, #tpu.memory_space<vmem_shared>>) target(%arg5 : memref<128x16xf32, #tpu.memory_space<vmem>>) target_semaphore(%run_scoped3A : memref<!tpu.dma_semaphore, #tpu.memory_space<semaphore_mem>>)
        %dma_wait3A_103 = arith.constant 0 : i32
        %dma_wait3A_104 = tpu.memref_slice %arg6[%add3A_99, %dma_wait3A_103] : memref<10240x16xf32, #tpu.memory_space<vmem_shared>> -> memref<128x16xf32, #tpu.memory_space<vmem_shared>>
        %dma_wait3A_105 = arith.constant 0 : i32
        %dma_wait3A_106 = tpu.memref_slice %arg6[%add3A_99, %dma_wait3A_105] : memref<10240x16xf32, #tpu.memory_space<vmem_shared>> -> memref<128x16xf32, #tpu.memory_space<vmem_shared>>
        tpu.wait_dma2 semaphore(%run_scoped3A : memref<!tpu.dma_semaphore, #tpu.memory_space<semaphore_mem>>) src(%dma_wait3A_106 : memref<128x16xf32, #tpu.memory_space<vmem_shared>>) dst(%arg5 : memref<128x16xf32, #tpu.memory_space<vmem>>)
        tpu.yield
      }) : () -> ()
      "tpu.region"() ({
        %run_scoped3A = tpu.sem_alloc : memref<!tpu.dma_semaphore, #tpu.memory_space<semaphore_mem>>
        %dma_start3A = arith.constant 0 : i32
        %dma_start3A_100 = tpu.memref_slice %arg3[%arg0, %add3A_99, %dma_start3A] : memref<2x10240x16xf32, #tpu.memory_space<hbm>> -> memref<1x128x16xf32, #tpu.memory_space<hbm>>
        %dma_start3A_101 = tpu.memref_squeeze %dma_start3A_100 : memref<1x128x16xf32, #tpu.memory_space<hbm>> -> memref<128x16xf32, #tpu.memory_space<hbm>>
        %dma_start3A_102 = arith.constant 0 : i32
        %dma_start3A_103 = tpu.memref_slice %arg3[%arg0, %add3A_99, %dma_start3A_102] : memref<2x10240x16xf32, #tpu.memory_space<hbm>> -> memref<1x128x16xf32, #tpu.memory_space<hbm>>
        %dma_start3A_104 = tpu.memref_squeeze %dma_start3A_103 : memref<1x128x16xf32, #tpu.memory_space<hbm>> -> memref<128x16xf32, #tpu.memory_space<hbm>>
        tpu.enqueue_dma source(%arg5 : memref<128x16xf32, #tpu.memory_space<vmem>>) target(%dma_start3A_104 : memref<128x16xf32, #tpu.memory_space<hbm>>) target_semaphore(%run_scoped3A : memref<!tpu.dma_semaphore, #tpu.memory_space<semaphore_mem>>)
        %dma_wait3A_105 = arith.constant 0 : i32
        %dma_wait3A_106 = tpu.memref_slice %arg3[%arg0, %add3A_99, %dma_wait3A_105] : memref<2x10240x16xf32, #tpu.memory_space<hbm>> -> memref<1x128x16xf32, #tpu.memory_space<hbm>>
        %dma_wait3A_107 = tpu.memref_squeeze %dma_wait3A_106 : memref<1x128x16xf32, #tpu.memory_space<hbm>> -> memref<128x16xf32, #tpu.memory_space<hbm>>
        %dma_wait3A_108 = arith.constant 0 : i32
        %dma_wait3A_109 = tpu.memref_slice %arg3[%arg0, %add3A_99, %dma_wait3A_108] : memref<2x10240x16xf32, #tpu.memory_space<hbm>> -> memref<1x128x16xf32, #tpu.memory_space<hbm>>
        %dma_wait3A_110 = tpu.memref_squeeze %dma_wait3A_109 : memref<1x128x16xf32, #tpu.memory_space<hbm>> -> memref<128x16xf32, #tpu.memory_space<hbm>>
        tpu.wait_dma2 semaphore(%run_scoped3A : memref<!tpu.dma_semaphore, #tpu.memory_space<semaphore_mem>>) src(%arg5 : memref<128x16xf32, #tpu.memory_space<vmem>>) dst(%dma_wait3A_110 : memref<128x16xf32, #tpu.memory_space<hbm>>)
        tpu.yield
      }) : () -> ()
    }
    %scan3A_93 = arith.constant 5 : i32
    return
  }
}

#map = affine_map<(d0, d1) -> (0, 0)>
#map1 = affine_map<(d0, d1) -> (0)>
#map2 = affine_map<(d0, d1) -> (0, 0, 0)>
module attributes {stable_mosaic.version = 14 : i64} {
  func.func @_sc_edges(%arg0: i32, %arg1: i32, %arg2: memref<10000x128xf32, #tpu.memory_space<hbm>>, %arg3: memref<640000xi32, #tpu.memory_space<hbm>>, %arg4: memref<2x10240x128xf32, #tpu.memory_space<hbm>>, %arg5: memref<4x128xi32, #tpu.memory_space<vmem>>, %arg6: memref<4x128xi32, #tpu.memory_space<vmem>>, %arg7: memref<2x128x128xf32, #tpu.memory_space<vmem>>, %arg8: memref<10240x128xf32, #tpu.memory_space<vmem_shared>>, %arg9: memref<4x!tpu.dma_semaphore, #tpu.memory_space<semaphore_mem>>, %arg10: memref<2x!tpu.dma_semaphore, #tpu.memory_space<semaphore_mem>>, %arg11: memref<2x!tpu.dma_semaphore, #tpu.memory_space<semaphore_mem>>) attributes {dimension_semantics = [#tpu.dimension_semantics<core_parallel>, #tpu.dimension_semantics<subcore_parallel>], iteration_bounds = array<i64: 2, 16>, scalar_prefetch = 0 : i64, scratch_operands = 7 : i64, tpu.core_type = #tpu.core_type<sc_vector_subcore>, window_params = [{transform_indices = #map}, {transform_indices = #map1}, {transform_indices = #map2}]} {
    %mul3A = arith.constant 16 : i32
    %mul3A_0 = arith.muli %arg0, %mul3A : i32
    %add3A = arith.addi %mul3A_0, %arg1 : i32
    %lt3A = arith.constant 4 : i32
    %lt3A_1 = arith.cmpi slt, %add3A, %lt3A : i32
    %jit3A = arith.constant 79 : i32
    %jit3A_2 = arith.constant 78 : i32
    %select_n3A = arith.select %lt3A_1, %jit3A, %jit3A_2 : i32
    %add3A_3 = arith.constant 0 : i32
    %add3A_4 = arith.addi %add3A, %add3A_3 : i32
    %mul3A_5 = arith.constant 128 : i32
    %mul3A_6 = arith.muli %add3A_4, %mul3A_5 : i32
    %dma_start3A = arith.constant 0 : i32
    %dma_start3A_7 = arith.constant 0 : i32
    %dma_start3A_8 = arith.constant 0 : i32
    %dma_start3A_9 = tpu.memref_slice %arg5[%dma_start3A, %dma_start3A_8] : memref<4x128xi32, #tpu.memory_space<vmem>> -> memref<1x128xi32, #tpu.memory_space<vmem>>
    %dma_start3A_10 = tpu.memref_squeeze %dma_start3A_9 : memref<1x128xi32, #tpu.memory_space<vmem>> -> memref<128xi32, #tpu.memory_space<vmem>>
    %dma_start3A_11 = tpu.memref_slice %arg3[%mul3A_6] : memref<640000xi32, #tpu.memory_space<hbm>> -> memref<128xi32, #tpu.memory_space<hbm>>
    %dma_start3A_12 = tpu.memref_slice %arg9[%dma_start3A_7] : memref<4x!tpu.dma_semaphore, #tpu.memory_space<semaphore_mem>> -> memref<1x!tpu.dma_semaphore, #tpu.memory_space<semaphore_mem>>
    %dma_start3A_13 = tpu.memref_squeeze %dma_start3A_12 : memref<1x!tpu.dma_semaphore, #tpu.memory_space<semaphore_mem>> -> memref<!tpu.dma_semaphore, #tpu.memory_space<semaphore_mem>>
    %dma_start3A_14 = arith.constant 0 : i32
    %dma_start3A_15 = tpu.memref_slice %arg5[%dma_start3A, %dma_start3A_14] : memref<4x128xi32, #tpu.memory_space<vmem>> -> memref<1x128xi32, #tpu.memory_space<vmem>>
    %dma_start3A_16 = tpu.memref_squeeze %dma_start3A_15 : memref<1x128xi32, #tpu.memory_space<vmem>> -> memref<128xi32, #tpu.memory_space<vmem>>
    %dma_start3A_17 = tpu.memref_slice %arg3[%mul3A_6] : memref<640000xi32, #tpu.memory_space<hbm>> -> memref<128xi32, #tpu.memory_space<hbm>>
    tpu.enqueue_dma source(%dma_start3A_17 : memref<128xi32, #tpu.memory_space<hbm>>) target(%dma_start3A_16 : memref<128xi32, #tpu.memory_space<vmem>>) target_semaphore(%dma_start3A_13 : memref<!tpu.dma_semaphore, #tpu.memory_space<semaphore_mem>>)
    %add3A_18 = arith.constant 320000 : i32
    %add3A_19 = arith.addi %add3A_18, %mul3A_6 : i32
    %dma_start3A_20 = arith.constant 0 : i32
    %dma_start3A_21 = arith.constant 0 : i32
    %dma_start3A_22 = arith.constant 0 : i32
    %dma_start3A_23 = tpu.memref_slice %arg6[%dma_start3A_20, %dma_start3A_22] : memref<4x128xi32, #tpu.memory_space<vmem>> -> memref<1x128xi32, #tpu.memory_space<vmem>>
    %dma_start3A_24 = tpu.memref_squeeze %dma_start3A_23 : memref<1x128xi32, #tpu.memory_space<vmem>> -> memref<128xi32, #tpu.memory_space<vmem>>
    %dma_start3A_25 = tpu.memref_slice %arg3[%add3A_19] : memref<640000xi32, #tpu.memory_space<hbm>> -> memref<128xi32, #tpu.memory_space<hbm>>
    %dma_start3A_26 = tpu.memref_slice %arg9[%dma_start3A_21] : memref<4x!tpu.dma_semaphore, #tpu.memory_space<semaphore_mem>> -> memref<1x!tpu.dma_semaphore, #tpu.memory_space<semaphore_mem>>
    %dma_start3A_27 = tpu.memref_squeeze %dma_start3A_26 : memref<1x!tpu.dma_semaphore, #tpu.memory_space<semaphore_mem>> -> memref<!tpu.dma_semaphore, #tpu.memory_space<semaphore_mem>>
    %dma_start3A_28 = arith.constant 0 : i32
    %dma_start3A_29 = tpu.memref_slice %arg6[%dma_start3A_20, %dma_start3A_28] : memref<4x128xi32, #tpu.memory_space<vmem>> -> memref<1x128xi32, #tpu.memory_space<vmem>>
    %dma_start3A_30 = tpu.memref_squeeze %dma_start3A_29 : memref<1x128xi32, #tpu.memory_space<vmem>> -> memref<128xi32, #tpu.memory_space<vmem>>
    %dma_start3A_31 = tpu.memref_slice %arg3[%add3A_19] : memref<640000xi32, #tpu.memory_space<hbm>> -> memref<128xi32, #tpu.memory_space<hbm>>
    tpu.enqueue_dma source(%dma_start3A_31 : memref<128xi32, #tpu.memory_space<hbm>>) target(%dma_start3A_30 : memref<128xi32, #tpu.memory_space<vmem>>) target_semaphore(%dma_start3A_27 : memref<!tpu.dma_semaphore, #tpu.memory_space<semaphore_mem>>)
    %add3A_32 = arith.constant 32 : i32
    %add3A_33 = arith.addi %add3A, %add3A_32 : i32
    %mul3A_34 = arith.constant 128 : i32
    %mul3A_35 = arith.muli %add3A_33, %mul3A_34 : i32
    %dma_start3A_36 = arith.constant 1 : i32
    %dma_start3A_37 = arith.constant 1 : i32
    %dma_start3A_38 = arith.constant 0 : i32
    %dma_start3A_39 = tpu.memref_slice %arg5[%dma_start3A_36, %dma_start3A_38] : memref<4x128xi32, #tpu.memory_space<vmem>> -> memref<1x128xi32, #tpu.memory_space<vmem>>
    %dma_start3A_40 = tpu.memref_squeeze %dma_start3A_39 : memref<1x128xi32, #tpu.memory_space<vmem>> -> memref<128xi32, #tpu.memory_space<vmem>>
    %dma_start3A_41 = tpu.memref_slice %arg3[%mul3A_35] : memref<640000xi32, #tpu.memory_space<hbm>> -> memref<128xi32, #tpu.memory_space<hbm>>
    %dma_start3A_42 = tpu.memref_slice %arg9[%dma_start3A_37] : memref<4x!tpu.dma_semaphore, #tpu.memory_space<semaphore_mem>> -> memref<1x!tpu.dma_semaphore, #tpu.memory_space<semaphore_mem>>
    %dma_start3A_43 = tpu.memref_squeeze %dma_start3A_42 : memref<1x!tpu.dma_semaphore, #tpu.memory_space<semaphore_mem>> -> memref<!tpu.dma_semaphore, #tpu.memory_space<semaphore_mem>>
    %dma_start3A_44 = arith.constant 0 : i32
    %dma_start3A_45 = tpu.memref_slice %arg5[%dma_start3A_36, %dma_start3A_44] : memref<4x128xi32, #tpu.memory_space<vmem>> -> memref<1x128xi32, #tpu.memory_space<vmem>>
    %dma_start3A_46 = tpu.memref_squeeze %dma_start3A_45 : memref<1x128xi32, #tpu.memory_space<vmem>> -> memref<128xi32, #tpu.memory_space<vmem>>
    %dma_start3A_47 = tpu.memref_slice %arg3[%mul3A_35] : memref<640000xi32, #tpu.memory_space<hbm>> -> memref<128xi32, #tpu.memory_space<hbm>>
    tpu.enqueue_dma source(%dma_start3A_47 : memref<128xi32, #tpu.memory_space<hbm>>) target(%dma_start3A_46 : memref<128xi32, #tpu.memory_space<vmem>>) target_semaphore(%dma_start3A_43 : memref<!tpu.dma_semaphore, #tpu.memory_space<semaphore_mem>>)
    %add3A_48 = arith.constant 320000 : i32
    %add3A_49 = arith.addi %add3A_48, %mul3A_35 : i32
    %dma_start3A_50 = arith.constant 1 : i32
    %dma_start3A_51 = arith.constant 1 : i32
    %dma_start3A_52 = arith.constant 0 : i32
    %dma_start3A_53 = tpu.memref_slice %arg6[%dma_start3A_50, %dma_start3A_52] : memref<4x128xi32, #tpu.memory_space<vmem>> -> memref<1x128xi32, #tpu.memory_space<vmem>>
    %dma_start3A_54 = tpu.memref_squeeze %dma_start3A_53 : memref<1x128xi32, #tpu.memory_space<vmem>> -> memref<128xi32, #tpu.memory_space<vmem>>
    %dma_start3A_55 = tpu.memref_slice %arg3[%add3A_49] : memref<640000xi32, #tpu.memory_space<hbm>> -> memref<128xi32, #tpu.memory_space<hbm>>
    %dma_start3A_56 = tpu.memref_slice %arg9[%dma_start3A_51] : memref<4x!tpu.dma_semaphore, #tpu.memory_space<semaphore_mem>> -> memref<1x!tpu.dma_semaphore, #tpu.memory_space<semaphore_mem>>
    %dma_start3A_57 = tpu.memref_squeeze %dma_start3A_56 : memref<1x!tpu.dma_semaphore, #tpu.memory_space<semaphore_mem>> -> memref<!tpu.dma_semaphore, #tpu.memory_space<semaphore_mem>>
    %dma_start3A_58 = arith.constant 0 : i32
    %dma_start3A_59 = tpu.memref_slice %arg6[%dma_start3A_50, %dma_start3A_58] : memref<4x128xi32, #tpu.memory_space<vmem>> -> memref<1x128xi32, #tpu.memory_space<vmem>>
    %dma_start3A_60 = tpu.memref_squeeze %dma_start3A_59 : memref<1x128xi32, #tpu.memory_space<vmem>> -> memref<128xi32, #tpu.memory_space<vmem>>
    %dma_start3A_61 = tpu.memref_slice %arg3[%add3A_49] : memref<640000xi32, #tpu.memory_space<hbm>> -> memref<128xi32, #tpu.memory_space<hbm>>
    tpu.enqueue_dma source(%dma_start3A_61 : memref<128xi32, #tpu.memory_space<hbm>>) target(%dma_start3A_60 : memref<128xi32, #tpu.memory_space<vmem>>) target_semaphore(%dma_start3A_57 : memref<!tpu.dma_semaphore, #tpu.memory_space<semaphore_mem>>)
    %add3A_62 = arith.constant 64 : i32
    %add3A_63 = arith.addi %add3A, %add3A_62 : i32
    %mul3A_64 = arith.constant 128 : i32
    %mul3A_65 = arith.muli %add3A_63, %mul3A_64 : i32
    %dma_start3A_66 = arith.constant 2 : i32
    %dma_start3A_67 = arith.constant 2 : i32
    %dma_start3A_68 = arith.constant 0 : i32
    %dma_start3A_69 = tpu.memref_slice %arg5[%dma_start3A_66, %dma_start3A_68] : memref<4x128xi32, #tpu.memory_space<vmem>> -> memref<1x128xi32, #tpu.memory_space<vmem>>
    %dma_start3A_70 = tpu.memref_squeeze %dma_start3A_69 : memref<1x128xi32, #tpu.memory_space<vmem>> -> memref<128xi32, #tpu.memory_space<vmem>>
    %dma_start3A_71 = tpu.memref_slice %arg3[%mul3A_65] : memref<640000xi32, #tpu.memory_space<hbm>> -> memref<128xi32, #tpu.memory_space<hbm>>
    %dma_start3A_72 = tpu.memref_slice %arg9[%dma_start3A_67] : memref<4x!tpu.dma_semaphore, #tpu.memory_space<semaphore_mem>> -> memref<1x!tpu.dma_semaphore, #tpu.memory_space<semaphore_mem>>
    %dma_start3A_73 = tpu.memref_squeeze %dma_start3A_72 : memref<1x!tpu.dma_semaphore, #tpu.memory_space<semaphore_mem>> -> memref<!tpu.dma_semaphore, #tpu.memory_space<semaphore_mem>>
    %dma_start3A_74 = arith.constant 0 : i32
    %dma_start3A_75 = tpu.memref_slice %arg5[%dma_start3A_66, %dma_start3A_74] : memref<4x128xi32, #tpu.memory_space<vmem>> -> memref<1x128xi32, #tpu.memory_space<vmem>>
    %dma_start3A_76 = tpu.memref_squeeze %dma_start3A_75 : memref<1x128xi32, #tpu.memory_space<vmem>> -> memref<128xi32, #tpu.memory_space<vmem>>
    %dma_start3A_77 = tpu.memref_slice %arg3[%mul3A_65] : memref<640000xi32, #tpu.memory_space<hbm>> -> memref<128xi32, #tpu.memory_space<hbm>>
    tpu.enqueue_dma source(%dma_start3A_77 : memref<128xi32, #tpu.memory_space<hbm>>) target(%dma_start3A_76 : memref<128xi32, #tpu.memory_space<vmem>>) target_semaphore(%dma_start3A_73 : memref<!tpu.dma_semaphore, #tpu.memory_space<semaphore_mem>>)
    %add3A_78 = arith.constant 320000 : i32
    %add3A_79 = arith.addi %add3A_78, %mul3A_65 : i32
    %dma_start3A_80 = arith.constant 2 : i32
    %dma_start3A_81 = arith.constant 2 : i32
    %dma_start3A_82 = arith.constant 0 : i32
    %dma_start3A_83 = tpu.memref_slice %arg6[%dma_start3A_80, %dma_start3A_82] : memref<4x128xi32, #tpu.memory_space<vmem>> -> memref<1x128xi32, #tpu.memory_space<vmem>>
    %dma_start3A_84 = tpu.memref_squeeze %dma_start3A_83 : memref<1x128xi32, #tpu.memory_space<vmem>> -> memref<128xi32, #tpu.memory_space<vmem>>
    %dma_start3A_85 = tpu.memref_slice %arg3[%add3A_79] : memref<640000xi32, #tpu.memory_space<hbm>> -> memref<128xi32, #tpu.memory_space<hbm>>
    %dma_start3A_86 = tpu.memref_slice %arg9[%dma_start3A_81] : memref<4x!tpu.dma_semaphore, #tpu.memory_space<semaphore_mem>> -> memref<1x!tpu.dma_semaphore, #tpu.memory_space<semaphore_mem>>
    %dma_start3A_87 = tpu.memref_squeeze %dma_start3A_86 : memref<1x!tpu.dma_semaphore, #tpu.memory_space<semaphore_mem>> -> memref<!tpu.dma_semaphore, #tpu.memory_space<semaphore_mem>>
    %dma_start3A_88 = arith.constant 0 : i32
    %dma_start3A_89 = tpu.memref_slice %arg6[%dma_start3A_80, %dma_start3A_88] : memref<4x128xi32, #tpu.memory_space<vmem>> -> memref<1x128xi32, #tpu.memory_space<vmem>>
    %dma_start3A_90 = tpu.memref_squeeze %dma_start3A_89 : memref<1x128xi32, #tpu.memory_space<vmem>> -> memref<128xi32, #tpu.memory_space<vmem>>
    %dma_start3A_91 = tpu.memref_slice %arg3[%add3A_79] : memref<640000xi32, #tpu.memory_space<hbm>> -> memref<128xi32, #tpu.memory_space<hbm>>
    tpu.enqueue_dma source(%dma_start3A_91 : memref<128xi32, #tpu.memory_space<hbm>>) target(%dma_start3A_90 : memref<128xi32, #tpu.memory_space<vmem>>) target_semaphore(%dma_start3A_87 : memref<!tpu.dma_semaphore, #tpu.memory_space<semaphore_mem>>)
    %broadcast_in_dim3A = arith.constant 0.000000e+00 : f32
    %broadcast_in_dim3A_92 = vector.broadcast %broadcast_in_dim3A : f32 to vector<16xf32>
    %scan3A = arith.constant 0 : i32
    %scan3A_93 = arith.constant 0 : i32
    %scan3A_94 = arith.constant 1024 : i32
    %scan3A_95 = arith.addi %scan3A_93, %scan3A_94 : i32
    %scan3A_96 = arith.constant 1 : i32
    scf.for %scan3A_195 = %scan3A_93 to %scan3A_95 step %scan3A_96  : i32 {
      %jit3A_196 = arith.constant 8 : i32
      %div3A = arith.divsi %scan3A_195, %jit3A_196 : i32
      %sign3A = arith.constant 0 : i32
      %sign3A_197 = arith.cmpi sgt, %scan3A_195, %sign3A : i32
      %sign3A_198 = arith.extui %sign3A_197 : i1 to i32
      %sign3A_199 = arith.constant 0 : i32
      %sign3A_200 = arith.cmpi slt, %scan3A_195, %sign3A_199 : i32
      %sign3A_201 = arith.extui %sign3A_200 : i1 to i32
      %sign3A_202 = arith.subi %sign3A_198, %sign3A_201 : i32
      %sign3A_203 = arith.constant 0 : i32
      %sign3A_204 = arith.cmpi sgt, %jit3A_196, %sign3A_203 : i32
      %sign3A_205 = arith.extui %sign3A_204 : i1 to i32
      %sign3A_206 = arith.constant 0 : i32
      %sign3A_207 = arith.cmpi slt, %jit3A_196, %sign3A_206 : i32
      %sign3A_208 = arith.extui %sign3A_207 : i1 to i32
      %sign3A_209 = arith.subi %sign3A_205, %sign3A_208 : i32
      %ne3A = arith.cmpi ne, %sign3A_202, %sign3A_209 : i32
      %rem3A_210 = arith.remsi %scan3A_195, %jit3A_196 : i32
      %ne3A_211 = arith.constant 0 : i32
      %ne3A_212 = arith.cmpi ne, %rem3A_210, %ne3A_211 : i32
      %and3A = arith.andi %ne3A, %ne3A_212 : i1
      %sub3A_213 = arith.constant 1 : i32
      %sub3A_214 = arith.subi %div3A, %sub3A_213 : i32
      %select_n3A_215 = arith.select %and3A, %sub3A_214, %div3A : i32
      %jit3A_216 = arith.constant 8 : i32
      %eq3A = arith.constant 0 : i32
      %eq3A_217 = arith.cmpi eq, %jit3A_216, %eq3A : i32
      %jit3A_218 = arith.constant 1 : i32
      %select_n3A_219 = arith.select %eq3A_217, %jit3A_218, %jit3A_216 : i32
      %rem3A_220 = arith.remsi %scan3A_195, %select_n3A_219 : i32
      %ne3A_221 = arith.constant 0 : i32
      %ne3A_222 = arith.cmpi ne, %rem3A_220, %ne3A_221 : i32
      %lt3A_223 = arith.constant 0 : i32
      %lt3A_224 = arith.cmpi slt, %rem3A_220, %lt3A_223 : i32
      %lt3A_225 = arith.constant 0 : i32
      %lt3A_226 = arith.cmpi slt, %select_n3A_219, %lt3A_225 : i32
      %ne3A_227 = arith.xori %lt3A_224, %lt3A_226 : i1
      %and3A_228 = arith.andi %ne3A_227, %ne3A_222 : i1
      %add3A_229 = arith.addi %rem3A_220, %select_n3A_219 : i32
      %select_n3A_230 = arith.select %and3A_228, %add3A_229, %rem3A_220 : i32
      %mul3A_231 = arith.constant 16 : i32
      %mul3A_232 = arith.muli %select_n3A_230, %mul3A_231 : i32
      %swap3A = arith.constant 0 : i32
      %swap3A_233 = arith.constant 0 : i32
      %swap3A_234 = tpu.memref_slice %arg7[%scan3A, %swap3A, %swap3A_233] : memref<2x128x128xf32, #tpu.memory_space<vmem>> -> memref<1x128x128xf32, #tpu.memory_space<vmem>>
      %swap3A_235 = tpu.memref_squeeze %swap3A_234 : memref<1x128x128xf32, #tpu.memory_space<vmem>> -> memref<128x128xf32, #tpu.memory_space<vmem>>
      %swap3A_236 = arith.index_cast %select_n3A_215 : i32 to index
      %swap3A_237 = arith.index_cast %mul3A_232 : i32 to index
      %swap3A_238 = tpu.vector_load %swap3A_235[%swap3A_236, %swap3A_237] {strides = array<i32>} : memref<128x128xf32, #tpu.memory_space<vmem>>, vector<1x16xf32>,
      %swap3A_239 = vector.shape_cast %swap3A_238 : vector<1x16xf32> to vector<16xf32>
      %swap3A_240 = vector.shape_cast %broadcast_in_dim3A_92 : vector<16xf32> to vector<1x16xf32>
      tpu.vector_store %swap3A_235[%swap3A_236, %swap3A_237], %swap3A_240 {strides = array<i32>} : memref<128x128xf32, #tpu.memory_space<vmem>>, vector<1x16xf32>,
    }
    %scan3A_97 = arith.constant 1024 : i32
    %scan3A_98 = arith.constant 0 : i32
    %scan3A_99 = arith.constant 5 : i32
    %scan3A_100 = arith.addi %scan3A_98, %scan3A_99 : i32
    %scan3A_101 = arith.constant 1 : i32
    scf.for %scan3A_195 = %scan3A_98 to %scan3A_100 step %scan3A_101  : i32 {
      %mul3A_196 = arith.constant 640 : i32
      %mul3A_197 = arith.muli %arg1, %mul3A_196 : i32
      %mul3A_198 = arith.constant 128 : i32
      %mul3A_199 = arith.muli %scan3A_195, %mul3A_198 : i32
      %add3A_200 = arith.addi %mul3A_197, %mul3A_199 : i32
      %run_scoped3A = arith.constant 0 : i32
      "tpu.region"() ({
        %run_scoped3A_201 = tpu.sem_alloc : memref<!tpu.dma_semaphore, #tpu.memory_space<semaphore_mem>>
        %dma_start3A_202 = arith.constant 0 : i32
        %dma_start3A_203 = arith.constant 0 : i32
        %dma_start3A_204 = tpu.memref_slice %arg7[%run_scoped3A, %dma_start3A_202, %dma_start3A_203] : memref<2x128x128xf32, #tpu.memory_space<vmem>> -> memref<1x128x128xf32, #tpu.memory_space<vmem>>
        %dma_start3A_205 = tpu.memref_squeeze %dma_start3A_204 : memref<1x128x128xf32, #tpu.memory_space<vmem>> -> memref<128x128xf32, #tpu.memory_space<vmem>>
        %dma_start3A_206 = arith.constant 0 : i32
        %dma_start3A_207 = tpu.memref_slice %arg8[%add3A_200, %dma_start3A_206] : memref<10240x128xf32, #tpu.memory_space<vmem_shared>> -> memref<128x128xf32, #tpu.memory_space<vmem_shared>>
        %dma_start3A_208 = arith.constant 0 : i32
        %dma_start3A_209 = tpu.memref_slice %arg8[%add3A_200, %dma_start3A_208] : memref<10240x128xf32, #tpu.memory_space<vmem_shared>> -> memref<128x128xf32, #tpu.memory_space<vmem_shared>>
        %dma_start3A_210 = arith.constant 0 : i32
        %dma_start3A_211 = arith.constant 0 : i32
        %dma_start3A_212 = tpu.memref_slice %arg7[%run_scoped3A, %dma_start3A_210, %dma_start3A_211] : memref<2x128x128xf32, #tpu.memory_space<vmem>> -> memref<1x128x128xf32, #tpu.memory_space<vmem>>
        %dma_start3A_213 = tpu.memref_squeeze %dma_start3A_212 : memref<1x128x128xf32, #tpu.memory_space<vmem>> -> memref<128x128xf32, #tpu.memory_space<vmem>>
        tpu.enqueue_dma source(%dma_start3A_213 : memref<128x128xf32, #tpu.memory_space<vmem>>) target(%dma_start3A_209 : memref<128x128xf32, #tpu.memory_space<vmem_shared>>) target_semaphore(%run_scoped3A_201 : memref<!tpu.dma_semaphore, #tpu.memory_space<semaphore_mem>>)
        %dma_wait3A_214 = arith.constant 0 : i32
        %dma_wait3A_215 = arith.constant 0 : i32
        %dma_wait3A_216 = tpu.memref_slice %arg7[%run_scoped3A, %dma_wait3A_214, %dma_wait3A_215] : memref<2x128x128xf32, #tpu.memory_space<vmem>> -> memref<1x128x128xf32, #tpu.memory_space<vmem>>
        %dma_wait3A_217 = tpu.memref_squeeze %dma_wait3A_216 : memref<1x128x128xf32, #tpu.memory_space<vmem>> -> memref<128x128xf32, #tpu.memory_space<vmem>>
        %dma_wait3A_218 = arith.constant 0 : i32
        %dma_wait3A_219 = tpu.memref_slice %arg8[%add3A_200, %dma_wait3A_218] : memref<10240x128xf32, #tpu.memory_space<vmem_shared>> -> memref<128x128xf32, #tpu.memory_space<vmem_shared>>
        %dma_wait3A_220 = arith.constant 0 : i32
        %dma_wait3A_221 = tpu.memref_slice %arg8[%add3A_200, %dma_wait3A_220] : memref<10240x128xf32, #tpu.memory_space<vmem_shared>> -> memref<128x128xf32, #tpu.memory_space<vmem_shared>>
        %dma_wait3A_222 = arith.constant 0 : i32
        %dma_wait3A_223 = arith.constant 0 : i32
        %dma_wait3A_224 = tpu.memref_slice %arg7[%run_scoped3A, %dma_wait3A_222, %dma_wait3A_223] : memref<2x128x128xf32, #tpu.memory_space<vmem>> -> memref<1x128x128xf32, #tpu.memory_space<vmem>>
        %dma_wait3A_225 = tpu.memref_squeeze %dma_wait3A_224 : memref<1x128x128xf32, #tpu.memory_space<vmem>> -> memref<128x128xf32, #tpu.memory_space<vmem>>
        tpu.wait_dma2 semaphore(%run_scoped3A_201 : memref<!tpu.dma_semaphore, #tpu.memory_space<semaphore_mem>>) src(%dma_wait3A_225 : memref<128x128xf32, #tpu.memory_space<vmem>>) dst(%dma_wait3A_221 : memref<128x128xf32, #tpu.memory_space<vmem_shared>>)
        tpu.yield
      }) : () -> ()
    }
    %scan3A_102 = arith.constant 5 : i32
    %barrier3A = arith.constant 0 : index
    tpu.barrier barrier_id(%barrier3A)
    %dma_wait3A = arith.constant 0 : i32
    %dma_wait3A_103 = arith.constant 0 : i32
    %dma_wait3A_104 = arith.constant 0 : i32
    %dma_wait3A_105 = tpu.memref_slice %arg5[%dma_wait3A, %dma_wait3A_104] : memref<4x128xi32, #tpu.memory_space<vmem>> -> memref<1x128xi32, #tpu.memory_space<vmem>>
    %dma_wait3A_106 = tpu.memref_squeeze %dma_wait3A_105 : memref<1x128xi32, #tpu.memory_space<vmem>> -> memref<128xi32, #tpu.memory_space<vmem>>
    %dma_wait3A_107 = arith.constant 0 : i32
    %dma_wait3A_108 = tpu.memref_slice %arg3[%dma_wait3A_107] : memref<640000xi32, #tpu.memory_space<hbm>> -> memref<128xi32, #tpu.memory_space<hbm>>
    %dma_wait3A_109 = tpu.memref_slice %arg9[%dma_wait3A_103] : memref<4x!tpu.dma_semaphore, #tpu.memory_space<semaphore_mem>> -> memref<1x!tpu.dma_semaphore, #tpu.memory_space<semaphore_mem>>
    %dma_wait3A_110 = tpu.memref_squeeze %dma_wait3A_109 : memref<1x!tpu.dma_semaphore, #tpu.memory_space<semaphore_mem>> -> memref<!tpu.dma_semaphore, #tpu.memory_space<semaphore_mem>>
    %dma_wait3A_111 = arith.constant 0 : i32
    %dma_wait3A_112 = tpu.memref_slice %arg5[%dma_wait3A, %dma_wait3A_111] : memref<4x128xi32, #tpu.memory_space<vmem>> -> memref<1x128xi32, #tpu.memory_space<vmem>>
    %dma_wait3A_113 = tpu.memref_squeeze %dma_wait3A_112 : memref<1x128xi32, #tpu.memory_space<vmem>> -> memref<128xi32, #tpu.memory_space<vmem>>
    %dma_wait3A_114 = arith.constant 0 : i32
    %dma_wait3A_115 = tpu.memref_slice %arg3[%dma_wait3A_114] : memref<640000xi32, #tpu.memory_space<hbm>> -> memref<128xi32, #tpu.memory_space<hbm>>
    tpu.wait_dma2 semaphore(%dma_wait3A_110 : memref<!tpu.dma_semaphore, #tpu.memory_space<semaphore_mem>>) src(%dma_wait3A_115 : memref<128xi32, #tpu.memory_space<hbm>>) dst(%dma_wait3A_113 : memref<128xi32, #tpu.memory_space<vmem>>)
    %dma_wait3A_116 = arith.constant 0 : i32
    %dma_wait3A_117 = arith.constant 0 : i32
    %dma_wait3A_118 = arith.constant 0 : i32
    %dma_wait3A_119 = tpu.memref_slice %arg6[%dma_wait3A_116, %dma_wait3A_118] : memref<4x128xi32, #tpu.memory_space<vmem>> -> memref<1x128xi32, #tpu.memory_space<vmem>>
    %dma_wait3A_120 = tpu.memref_squeeze %dma_wait3A_119 : memref<1x128xi32, #tpu.memory_space<vmem>> -> memref<128xi32, #tpu.memory_space<vmem>>
    %dma_wait3A_121 = arith.constant 0 : i32
    %dma_wait3A_122 = tpu.memref_slice %arg3[%dma_wait3A_121] : memref<640000xi32, #tpu.memory_space<hbm>> -> memref<128xi32, #tpu.memory_space<hbm>>
    %dma_wait3A_123 = tpu.memref_slice %arg9[%dma_wait3A_117] : memref<4x!tpu.dma_semaphore, #tpu.memory_space<semaphore_mem>> -> memref<1x!tpu.dma_semaphore, #tpu.memory_space<semaphore_mem>>
    %dma_wait3A_124 = tpu.memref_squeeze %dma_wait3A_123 : memref<1x!tpu.dma_semaphore, #tpu.memory_space<semaphore_mem>> -> memref<!tpu.dma_semaphore, #tpu.memory_space<semaphore_mem>>
    %dma_wait3A_125 = arith.constant 0 : i32
    %dma_wait3A_126 = tpu.memref_slice %arg6[%dma_wait3A_116, %dma_wait3A_125] : memref<4x128xi32, #tpu.memory_space<vmem>> -> memref<1x128xi32, #tpu.memory_space<vmem>>
    %dma_wait3A_127 = tpu.memref_squeeze %dma_wait3A_126 : memref<1x128xi32, #tpu.memory_space<vmem>> -> memref<128xi32, #tpu.memory_space<vmem>>
    %dma_wait3A_128 = arith.constant 0 : i32
    %dma_wait3A_129 = tpu.memref_slice %arg3[%dma_wait3A_128] : memref<640000xi32, #tpu.memory_space<hbm>> -> memref<128xi32, #tpu.memory_space<hbm>>
    tpu.wait_dma2 semaphore(%dma_wait3A_124 : memref<!tpu.dma_semaphore, #tpu.memory_space<semaphore_mem>>) src(%dma_wait3A_129 : memref<128xi32, #tpu.memory_space<hbm>>) dst(%dma_wait3A_127 : memref<128xi32, #tpu.memory_space<vmem>>)
    %dma_start3A_130 = arith.constant 0 : i32
    %dma_start3A_131 = arith.constant 0 : i32
    %dma_start3A_132 = arith.constant 0 : i32
    %dma_start3A_133 = arith.constant 0 : i32
    %dma_start3A_134 = arith.constant 0 : i32
    %dma_start3A_135 = tpu.memref_slice %arg7[%dma_start3A_131, %dma_start3A_133, %dma_start3A_134] : memref<2x128x128xf32, #tpu.memory_space<vmem>> -> memref<1x128x128xf32, #tpu.memory_space<vmem>>
    %dma_start3A_136 = tpu.memref_squeeze %dma_start3A_135 : memref<1x128x128xf32, #tpu.memory_space<vmem>> -> memref<128x128xf32, #tpu.memory_space<vmem>>
    %dma_start3A_137 = arith.constant 0 : i32
    %dma_start3A_138 = tpu.memref_slice %arg5[%dma_start3A_130, %dma_start3A_137] : memref<4x128xi32, #tpu.memory_space<vmem>> -> memref<1x128xi32, #tpu.memory_space<vmem>>
    %dma_start3A_139 = tpu.memref_squeeze %dma_start3A_138 : memref<1x128xi32, #tpu.memory_space<vmem>> -> memref<128xi32, #tpu.memory_space<vmem>>
    %dma_start3A_140 = arith.constant 0 : i32
    %dma_start3A_141 = arith.constant 0 : i32
    %dma_start3A_142 = tpu.memref_slice %arg2[%dma_start3A_140, %dma_start3A_141] : memref<10000x128xf32, #tpu.memory_space<hbm>> -> memref<10000x128xf32, #tpu.memory_space<hbm>>
    %dma_start3A_143 = tpu.memref_slice %arg10[%dma_start3A_132] : memref<2x!tpu.dma_semaphore, #tpu.memory_space<semaphore_mem>> -> memref<1x!tpu.dma_semaphore, #tpu.memory_space<semaphore_mem>>
    %dma_start3A_144 = tpu.memref_squeeze %dma_start3A_143 : memref<1x!tpu.dma_semaphore, #tpu.memory_space<semaphore_mem>> -> memref<!tpu.dma_semaphore, #tpu.memory_space<semaphore_mem>>
    tpu.enqueue_indirect_dma source(%dma_start3A_142 : memref<10000x128xf32, #tpu.memory_space<hbm>>) target(%dma_start3A_136 : memref<128x128xf32, #tpu.memory_space<vmem>>) offsets(%dma_start3A_139 : memref<128xi32, #tpu.memory_space<vmem>>) semaphore(%dma_start3A_144 : memref<!tpu.dma_semaphore, #tpu.memory_space<semaphore_mem>>)
    %while3A = arith.constant 0 : i32
    %while3A_145 = arith.subi %select_n3A, %while3A : i32
    %while3A_146 = arith.addi %while3A, %while3A_145 : i32
    %while3A_147 = arith.constant 1 : i32
    %while3A_148 = arith.divsi %while3A_145, %while3A_147 : i32
    %while3A_149 = arith.muli %while3A_148, %while3A_147 : i32
    %while3A_150 = arith.addi %while3A, %while3A_149 : i32
    %while3A_151 = arith.constant 1 : i32
    scf.for %while3A_195 = %while3A to %while3A_150 step %while3A_151  : i32 {
      %rem3A_196 = arith.constant 2 : i32
      %rem3A_197 = arith.remsi %while3A_195, %rem3A_196 : i32
      %add3A_198 = arith.constant 1 : i32
      %add3A_199 = arith.addi %while3A_195, %add3A_198 : i32
      %rem3A_200 = arith.constant 2 : i32
      %rem3A_201 = arith.remsi %add3A_199, %rem3A_200 : i32
      %add3A_202 = arith.constant 1 : i32
      %add3A_203 = arith.addi %while3A_195, %add3A_202 : i32
      %lt3A_204 = arith.cmpi slt, %add3A_203, %select_n3A : i32
      %convert_element_type3A = arith.extui %lt3A_204 : i1 to i32
      %cond3A = arith.constant 0 : i32
      %cond3A_205 = arith.cmpi ne, %convert_element_type3A, %cond3A : i32
      scf.if %cond3A_205 {
        %add3A_234 = arith.constant 1 : i32
        %add3A_235 = arith.addi %while3A_195, %add3A_234 : i32
        %ge3A = arith.constant 2 : i32
        %ge3A_236 = arith.cmpi sge, %add3A_235, %ge3A : i32
        %convert_element_type3A_237 = arith.extui %ge3A_236 : i1 to i32
        %cond3A_238 = arith.constant 0 : i32
        %cond3A_239 = arith.cmpi ne, %convert_element_type3A_237, %cond3A_238 : i32
        scf.if %cond3A_239 {
          %dma_wait3A_286 = arith.constant 0 : i32
          %dma_wait3A_287 = arith.constant 0 : i32
          %dma_wait3A_288 = arith.constant 0 : i32
          %dma_wait3A_289 = tpu.memref_slice %arg7[%rem3A_201, %dma_wait3A_287, %dma_wait3A_288] : memref<2x128x128xf32, #tpu.memory_space<vmem>> -> memref<1x128x128xf32, #tpu.memory_space<vmem>>
          %dma_wait3A_290 = tpu.memref_squeeze %dma_wait3A_289 : memref<1x128x128xf32, #tpu.memory_space<vmem>> -> memref<128x128xf32, #tpu.memory_space<vmem>>
          %dma_wait3A_291 = arith.constant 0 : i32
          %dma_wait3A_292 = tpu.memref_slice %arg6[%dma_wait3A_286, %dma_wait3A_291] : memref<4x128xi32, #tpu.memory_space<vmem>> -> memref<1x128xi32, #tpu.memory_space<vmem>>
          %dma_wait3A_293 = tpu.memref_squeeze %dma_wait3A_292 : memref<1x128xi32, #tpu.memory_space<vmem>> -> memref<128xi32, #tpu.memory_space<vmem>>
          %dma_wait3A_294 = arith.constant 0 : i32
          %dma_wait3A_295 = arith.constant 0 : i32
          %dma_wait3A_296 = tpu.memref_slice %arg8[%dma_wait3A_294, %dma_wait3A_295] : memref<10240x128xf32, #tpu.memory_space<vmem_shared>> -> memref<10240x128xf32, #tpu.memory_space<vmem_shared>>
          %dma_wait3A_297 = tpu.memref_slice %arg11[%rem3A_201] : memref<2x!tpu.dma_semaphore, #tpu.memory_space<semaphore_mem>> -> memref<1x!tpu.dma_semaphore, #tpu.memory_space<semaphore_mem>>
          %dma_wait3A_298 = tpu.memref_squeeze %dma_wait3A_297 : memref<1x!tpu.dma_semaphore, #tpu.memory_space<semaphore_mem>> -> memref<!tpu.dma_semaphore, #tpu.memory_space<semaphore_mem>>
          tpu.wait_indirect_dma semaphore(%dma_wait3A_298 : memref<!tpu.dma_semaphore, #tpu.memory_space<semaphore_mem>>) src(%dma_wait3A_290 : memref<128x128xf32, #tpu.memory_space<vmem>>) dst(%dma_wait3A_296 : memref<10240x128xf32, #tpu.memory_space<vmem_shared>>)
        } else {
        }
        %add3A_240 = arith.constant 3 : i32
        %add3A_241 = arith.addi %while3A_195, %add3A_240 : i32
        %lt3A_242 = arith.cmpi slt, %add3A_241, %select_n3A : i32
        %convert_element_type3A_243 = arith.extui %lt3A_242 : i1 to i32
        %cond3A_244 = arith.constant 0 : i32
        %cond3A_245 = arith.cmpi ne, %convert_element_type3A_243, %cond3A_244 : i32
        scf.if %cond3A_245 {
          %add3A_286 = arith.constant 3 : i32
          %add3A_287 = arith.addi %while3A_195, %add3A_286 : i32
          %add3A_288 = arith.constant 3 : i32
          %add3A_289 = arith.addi %while3A_195, %add3A_288 : i32
          %rem3A_290 = arith.constant 4 : i32
          %rem3A_291 = arith.remsi %add3A_289, %rem3A_290 : i32
          %mul3A_292 = arith.constant 32 : i32
          %mul3A_293 = arith.muli %add3A_287, %mul3A_292 : i32
          %add3A_294 = arith.addi %add3A, %mul3A_293 : i32
          %mul3A_295 = arith.constant 128 : i32
          %mul3A_296 = arith.muli %add3A_294, %mul3A_295 : i32
          %dma_start3A_297 = arith.constant 0 : i32
          %dma_start3A_298 = tpu.memref_slice %arg5[%rem3A_291, %dma_start3A_297] : memref<4x128xi32, #tpu.memory_space<vmem>> -> memref<1x128xi32, #tpu.memory_space<vmem>>
          %dma_start3A_299 = tpu.memref_squeeze %dma_start3A_298 : memref<1x128xi32, #tpu.memory_space<vmem>> -> memref<128xi32, #tpu.memory_space<vmem>>
          %dma_start3A_300 = tpu.memref_slice %arg3[%mul3A_296] : memref<640000xi32, #tpu.memory_space<hbm>> -> memref<128xi32, #tpu.memory_space<hbm>>
          %dma_start3A_301 = tpu.memref_slice %arg9[%rem3A_291] : memref<4x!tpu.dma_semaphore, #tpu.memory_space<semaphore_mem>> -> memref<1x!tpu.dma_semaphore, #tpu.memory_space<semaphore_mem>>
          %dma_start3A_302 = tpu.memref_squeeze %dma_start3A_301 : memref<1x!tpu.dma_semaphore, #tpu.memory_space<semaphore_mem>> -> memref<!tpu.dma_semaphore, #tpu.memory_space<semaphore_mem>>
          %dma_start3A_303 = arith.constant 0 : i32
          %dma_start3A_304 = tpu.memref_slice %arg5[%rem3A_291, %dma_start3A_303] : memref<4x128xi32, #tpu.memory_space<vmem>> -> memref<1x128xi32, #tpu.memory_space<vmem>>
          %dma_start3A_305 = tpu.memref_squeeze %dma_start3A_304 : memref<1x128xi32, #tpu.memory_space<vmem>> -> memref<128xi32, #tpu.memory_space<vmem>>
          %dma_start3A_306 = tpu.memref_slice %arg3[%mul3A_296] : memref<640000xi32, #tpu.memory_space<hbm>> -> memref<128xi32, #tpu.memory_space<hbm>>
          tpu.enqueue_dma source(%dma_start3A_306 : memref<128xi32, #tpu.memory_space<hbm>>) target(%dma_start3A_305 : memref<128xi32, #tpu.memory_space<vmem>>) target_semaphore(%dma_start3A_302 : memref<!tpu.dma_semaphore, #tpu.memory_space<semaphore_mem>>)
          %add3A_307 = arith.constant 320000 : i32
          %add3A_308 = arith.addi %add3A_307, %mul3A_296 : i32
          %dma_start3A_309 = arith.constant 0 : i32
          %dma_start3A_310 = tpu.memref_slice %arg6[%rem3A_291, %dma_start3A_309] : memref<4x128xi32, #tpu.memory_space<vmem>> -> memref<1x128xi32, #tpu.memory_space<vmem>>
          %dma_start3A_311 = tpu.memref_squeeze %dma_start3A_310 : memref<1x128xi32, #tpu.memory_space<vmem>> -> memref<128xi32, #tpu.memory_space<vmem>>
          %dma_start3A_312 = tpu.memref_slice %arg3[%add3A_308] : memref<640000xi32, #tpu.memory_space<hbm>> -> memref<128xi32, #tpu.memory_space<hbm>>
          %dma_start3A_313 = tpu.memref_slice %arg9[%rem3A_291] : memref<4x!tpu.dma_semaphore, #tpu.memory_space<semaphore_mem>> -> memref<1x!tpu.dma_semaphore, #tpu.memory_space<semaphore_mem>>
          %dma_start3A_314 = tpu.memref_squeeze %dma_start3A_313 : memref<1x!tpu.dma_semaphore, #tpu.memory_space<semaphore_mem>> -> memref<!tpu.dma_semaphore, #tpu.memory_space<semaphore_mem>>
          %dma_start3A_315 = arith.constant 0 : i32
          %dma_start3A_316 = tpu.memref_slice %arg6[%rem3A_291, %dma_start3A_315] : memref<4x128xi32, #tpu.memory_space<vmem>> -> memref<1x128xi32, #tpu.memory_space<vmem>>
          %dma_start3A_317 = tpu.memref_squeeze %dma_start3A_316 : memref<1x128xi32, #tpu.memory_space<vmem>> -> memref<128xi32, #tpu.memory_space<vmem>>
          %dma_start3A_318 = tpu.memref_slice %arg3[%add3A_308] : memref<640000xi32, #tpu.memory_space<hbm>> -> memref<128xi32, #tpu.memory_space<hbm>>
          tpu.enqueue_dma source(%dma_start3A_318 : memref<128xi32, #tpu.memory_space<hbm>>) target(%dma_start3A_317 : memref<128xi32, #tpu.memory_space<vmem>>) target_semaphore(%dma_start3A_314 : memref<!tpu.dma_semaphore, #tpu.memory_space<semaphore_mem>>)
        } else {
        }
        %add3A_246 = arith.constant 1 : i32
        %add3A_247 = arith.addi %while3A_195, %add3A_246 : i32
        %rem3A_248 = arith.constant 4 : i32
        %rem3A_249 = arith.remsi %add3A_247, %rem3A_248 : i32
        %dma_wait3A_250 = arith.constant 0 : i32
        %dma_wait3A_251 = tpu.memref_slice %arg5[%rem3A_249, %dma_wait3A_250] : memref<4x128xi32, #tpu.memory_space<vmem>> -> memref<1x128xi32, #tpu.memory_space<vmem>>
        %dma_wait3A_252 = tpu.memref_squeeze %dma_wait3A_251 : memref<1x128xi32, #tpu.memory_space<vmem>> -> memref<128xi32, #tpu.memory_space<vmem>>
        %dma_wait3A_253 = arith.constant 0 : i32
        %dma_wait3A_254 = tpu.memref_slice %arg3[%dma_wait3A_253] : memref<640000xi32, #tpu.memory_space<hbm>> -> memref<128xi32, #tpu.memory_space<hbm>>
        %dma_wait3A_255 = tpu.memref_slice %arg9[%rem3A_249] : memref<4x!tpu.dma_semaphore, #tpu.memory_space<semaphore_mem>> -> memref<1x!tpu.dma_semaphore, #tpu.memory_space<semaphore_mem>>
        %dma_wait3A_256 = tpu.memref_squeeze %dma_wait3A_255 : memref<1x!tpu.dma_semaphore, #tpu.memory_space<semaphore_mem>> -> memref<!tpu.dma_semaphore, #tpu.memory_space<semaphore_mem>>
        %dma_wait3A_257 = arith.constant 0 : i32
        %dma_wait3A_258 = tpu.memref_slice %arg5[%rem3A_249, %dma_wait3A_257] : memref<4x128xi32, #tpu.memory_space<vmem>> -> memref<1x128xi32, #tpu.memory_space<vmem>>
        %dma_wait3A_259 = tpu.memref_squeeze %dma_wait3A_258 : memref<1x128xi32, #tpu.memory_space<vmem>> -> memref<128xi32, #tpu.memory_space<vmem>>
        %dma_wait3A_260 = arith.constant 0 : i32
        %dma_wait3A_261 = tpu.memref_slice %arg3[%dma_wait3A_260] : memref<640000xi32, #tpu.memory_space<hbm>> -> memref<128xi32, #tpu.memory_space<hbm>>
        tpu.wait_dma2 semaphore(%dma_wait3A_256 : memref<!tpu.dma_semaphore, #tpu.memory_space<semaphore_mem>>) src(%dma_wait3A_261 : memref<128xi32, #tpu.memory_space<hbm>>) dst(%dma_wait3A_259 : memref<128xi32, #tpu.memory_space<vmem>>)
        %dma_wait3A_262 = arith.constant 0 : i32
        %dma_wait3A_263 = tpu.memref_slice %arg6[%rem3A_249, %dma_wait3A_262] : memref<4x128xi32, #tpu.memory_space<vmem>> -> memref<1x128xi32, #tpu.memory_space<vmem>>
        %dma_wait3A_264 = tpu.memref_squeeze %dma_wait3A_263 : memref<1x128xi32, #tpu.memory_space<vmem>> -> memref<128xi32, #tpu.memory_space<vmem>>
        %dma_wait3A_265 = arith.constant 0 : i32
        %dma_wait3A_266 = tpu.memref_slice %arg3[%dma_wait3A_265] : memref<640000xi32, #tpu.memory_space<hbm>> -> memref<128xi32, #tpu.memory_space<hbm>>
        %dma_wait3A_267 = tpu.memref_slice %arg9[%rem3A_249] : memref<4x!tpu.dma_semaphore, #tpu.memory_space<semaphore_mem>> -> memref<1x!tpu.dma_semaphore, #tpu.memory_space<semaphore_mem>>
        %dma_wait3A_268 = tpu.memref_squeeze %dma_wait3A_267 : memref<1x!tpu.dma_semaphore, #tpu.memory_space<semaphore_mem>> -> memref<!tpu.dma_semaphore, #tpu.memory_space<semaphore_mem>>
        %dma_wait3A_269 = arith.constant 0 : i32
        %dma_wait3A_270 = tpu.memref_slice %arg6[%rem3A_249, %dma_wait3A_269] : memref<4x128xi32, #tpu.memory_space<vmem>> -> memref<1x128xi32, #tpu.memory_space<vmem>>
        %dma_wait3A_271 = tpu.memref_squeeze %dma_wait3A_270 : memref<1x128xi32, #tpu.memory_space<vmem>> -> memref<128xi32, #tpu.memory_space<vmem>>
        %dma_wait3A_272 = arith.constant 0 : i32
        %dma_wait3A_273 = tpu.memref_slice %arg3[%dma_wait3A_272] : memref<640000xi32, #tpu.memory_space<hbm>> -> memref<128xi32, #tpu.memory_space<hbm>>
        tpu.wait_dma2 semaphore(%dma_wait3A_268 : memref<!tpu.dma_semaphore, #tpu.memory_space<semaphore_mem>>) src(%dma_wait3A_273 : memref<128xi32, #tpu.memory_space<hbm>>) dst(%dma_wait3A_271 : memref<128xi32, #tpu.memory_space<vmem>>)
        %dma_start3A_274 = arith.constant 0 : i32
        %dma_start3A_275 = arith.constant 0 : i32
        %dma_start3A_276 = tpu.memref_slice %arg7[%rem3A_201, %dma_start3A_274, %dma_start3A_275] : memref<2x128x128xf32, #tpu.memory_space<vmem>> -> memref<1x128x128xf32, #tpu.memory_space<vmem>>
        %dma_start3A_277 = tpu.memref_squeeze %dma_start3A_276 : memref<1x128x128xf32, #tpu.memory_space<vmem>> -> memref<128x128xf32, #tpu.memory_space<vmem>>
        %dma_start3A_278 = arith.constant 0 : i32
        %dma_start3A_279 = tpu.memref_slice %arg5[%rem3A_249, %dma_start3A_278] : memref<4x128xi32, #tpu.memory_space<vmem>> -> memref<1x128xi32, #tpu.memory_space<vmem>>
        %dma_start3A_280 = tpu.memref_squeeze %dma_start3A_279 : memref<1x128xi32, #tpu.memory_space<vmem>> -> memref<128xi32, #tpu.memory_space<vmem>>
        %dma_start3A_281 = arith.constant 0 : i32
        %dma_start3A_282 = arith.constant 0 : i32
        %dma_start3A_283 = tpu.memref_slice %arg2[%dma_start3A_281, %dma_start3A_282] : memref<10000x128xf32, #tpu.memory_space<hbm>> -> memref<10000x128xf32, #tpu.memory_space<hbm>>
        %dma_start3A_284 = tpu.memref_slice %arg10[%rem3A_201] : memref<2x!tpu.dma_semaphore, #tpu.memory_space<semaphore_mem>> -> memref<1x!tpu.dma_semaphore, #tpu.memory_space<semaphore_mem>>
        %dma_start3A_285 = tpu.memref_squeeze %dma_start3A_284 : memref<1x!tpu.dma_semaphore, #tpu.memory_space<semaphore_mem>> -> memref<!tpu.dma_semaphore, #tpu.memory_space<semaphore_mem>>
        tpu.enqueue_indirect_dma source(%dma_start3A_283 : memref<10000x128xf32, #tpu.memory_space<hbm>>) target(%dma_start3A_277 : memref<128x128xf32, #tpu.memory_space<vmem>>) offsets(%dma_start3A_280 : memref<128xi32, #tpu.memory_space<vmem>>) semaphore(%dma_start3A_285 : memref<!tpu.dma_semaphore, #tpu.memory_space<semaphore_mem>>)
      } else {
      }
      %rem3A_206 = arith.constant 4 : i32
      %rem3A_207 = arith.remsi %while3A_195, %rem3A_206 : i32
      %dma_wait3A_208 = arith.constant 0 : i32
      %dma_wait3A_209 = arith.constant 0 : i32
      %dma_wait3A_210 = tpu.memref_slice %arg7[%rem3A_197, %dma_wait3A_208, %dma_wait3A_209] : memref<2x128x128xf32, #tpu.memory_space<vmem>> -> memref<1x128x128xf32, #tpu.memory_space<vmem>>
      %dma_wait3A_211 = tpu.memref_squeeze %dma_wait3A_210 : memref<1x128x128xf32, #tpu.memory_space<vmem>> -> memref<128x128xf32, #tpu.memory_space<vmem>>
      %dma_wait3A_212 = arith.constant 0 : i32
      %dma_wait3A_213 = tpu.memref_slice %arg5[%rem3A_207, %dma_wait3A_212] : memref<4x128xi32, #tpu.memory_space<vmem>> -> memref<1x128xi32, #tpu.memory_space<vmem>>
      %dma_wait3A_214 = tpu.memref_squeeze %dma_wait3A_213 : memref<1x128xi32, #tpu.memory_space<vmem>> -> memref<128xi32, #tpu.memory_space<vmem>>
      %dma_wait3A_215 = arith.constant 0 : i32
      %dma_wait3A_216 = arith.constant 0 : i32
      %dma_wait3A_217 = tpu.memref_slice %arg2[%dma_wait3A_215, %dma_wait3A_216] : memref<10000x128xf32, #tpu.memory_space<hbm>> -> memref<10000x128xf32, #tpu.memory_space<hbm>>
      %dma_wait3A_218 = tpu.memref_slice %arg10[%rem3A_197] : memref<2x!tpu.dma_semaphore, #tpu.memory_space<semaphore_mem>> -> memref<1x!tpu.dma_semaphore, #tpu.memory_space<semaphore_mem>>
      %dma_wait3A_219 = tpu.memref_squeeze %dma_wait3A_218 : memref<1x!tpu.dma_semaphore, #tpu.memory_space<semaphore_mem>> -> memref<!tpu.dma_semaphore, #tpu.memory_space<semaphore_mem>>
      tpu.wait_indirect_dma semaphore(%dma_wait3A_219 : memref<!tpu.dma_semaphore, #tpu.memory_space<semaphore_mem>>) src(%dma_wait3A_217 : memref<10000x128xf32, #tpu.memory_space<hbm>>) dst(%dma_wait3A_211 : memref<128x128xf32, #tpu.memory_space<vmem>>)
      %rem3A_220 = arith.constant 4 : i32
      %rem3A_221 = arith.remsi %while3A_195, %rem3A_220 : i32
      %dma_start3A_222 = arith.constant 0 : i32
      %dma_start3A_223 = arith.constant 0 : i32
      %dma_start3A_224 = tpu.memref_slice %arg7[%rem3A_197, %dma_start3A_222, %dma_start3A_223] : memref<2x128x128xf32, #tpu.memory_space<vmem>> -> memref<1x128x128xf32, #tpu.memory_space<vmem>>
      %dma_start3A_225 = tpu.memref_squeeze %dma_start3A_224 : memref<1x128x128xf32, #tpu.memory_space<vmem>> -> memref<128x128xf32, #tpu.memory_space<vmem>>
      %dma_start3A_226 = arith.constant 0 : i32
      %dma_start3A_227 = tpu.memref_slice %arg6[%rem3A_221, %dma_start3A_226] : memref<4x128xi32, #tpu.memory_space<vmem>> -> memref<1x128xi32, #tpu.memory_space<vmem>>
      %dma_start3A_228 = tpu.memref_squeeze %dma_start3A_227 : memref<1x128xi32, #tpu.memory_space<vmem>> -> memref<128xi32, #tpu.memory_space<vmem>>
      %dma_start3A_229 = arith.constant 0 : i32
      %dma_start3A_230 = arith.constant 0 : i32
      %dma_start3A_231 = tpu.memref_slice %arg8[%dma_start3A_229, %dma_start3A_230] : memref<10240x128xf32, #tpu.memory_space<vmem_shared>> -> memref<10240x128xf32, #tpu.memory_space<vmem_shared>>
      %dma_start3A_232 = tpu.memref_slice %arg11[%rem3A_197] : memref<2x!tpu.dma_semaphore, #tpu.memory_space<semaphore_mem>> -> memref<1x!tpu.dma_semaphore, #tpu.memory_space<semaphore_mem>>
      %dma_start3A_233 = tpu.memref_squeeze %dma_start3A_232 : memref<1x!tpu.dma_semaphore, #tpu.memory_space<semaphore_mem>> -> memref<!tpu.dma_semaphore, #tpu.memory_space<semaphore_mem>>
      tpu.enqueue_indirect_dma source(%dma_start3A_225 : memref<128x128xf32, #tpu.memory_space<vmem>>) target(%dma_start3A_231 : memref<10240x128xf32, #tpu.memory_space<vmem_shared>>) offsets(%dma_start3A_228 : memref<128xi32, #tpu.memory_space<vmem>>) semaphore(%dma_start3A_233 : memref<!tpu.dma_semaphore, #tpu.memory_space<semaphore_mem>>) {add = true}
    }
    %while3A_152 = arith.constant 1 : i32
    scf.for %while3A_195 = %while3A_150 to %while3A_146 step %while3A_152  : i32 {
      %rem3A_196 = arith.constant 2 : i32
      %rem3A_197 = arith.remsi %while3A_195, %rem3A_196 : i32
      %add3A_198 = arith.constant 1 : i32
      %add3A_199 = arith.addi %while3A_195, %add3A_198 : i32
      %rem3A_200 = arith.constant 2 : i32
      %rem3A_201 = arith.remsi %add3A_199, %rem3A_200 : i32
      %add3A_202 = arith.constant 1 : i32
      %add3A_203 = arith.addi %while3A_195, %add3A_202 : i32
      %lt3A_204 = arith.cmpi slt, %add3A_203, %select_n3A : i32
      %convert_element_type3A = arith.extui %lt3A_204 : i1 to i32
      %cond3A = arith.constant 0 : i32
      %cond3A_205 = arith.cmpi ne, %convert_element_type3A, %cond3A : i32
      scf.if %cond3A_205 {
        %add3A_234 = arith.constant 1 : i32
        %add3A_235 = arith.addi %while3A_195, %add3A_234 : i32
        %ge3A = arith.constant 2 : i32
        %ge3A_236 = arith.cmpi sge, %add3A_235, %ge3A : i32
        %convert_element_type3A_237 = arith.extui %ge3A_236 : i1 to i32
        %cond3A_238 = arith.constant 0 : i32
        %cond3A_239 = arith.cmpi ne, %convert_element_type3A_237, %cond3A_238 : i32
        scf.if %cond3A_239 {
          %dma_wait3A_286 = arith.constant 0 : i32
          %dma_wait3A_287 = arith.constant 0 : i32
          %dma_wait3A_288 = arith.constant 0 : i32
          %dma_wait3A_289 = tpu.memref_slice %arg7[%rem3A_201, %dma_wait3A_287, %dma_wait3A_288] : memref<2x128x128xf32, #tpu.memory_space<vmem>> -> memref<1x128x128xf32, #tpu.memory_space<vmem>>
          %dma_wait3A_290 = tpu.memref_squeeze %dma_wait3A_289 : memref<1x128x128xf32, #tpu.memory_space<vmem>> -> memref<128x128xf32, #tpu.memory_space<vmem>>
          %dma_wait3A_291 = arith.constant 0 : i32
          %dma_wait3A_292 = tpu.memref_slice %arg6[%dma_wait3A_286, %dma_wait3A_291] : memref<4x128xi32, #tpu.memory_space<vmem>> -> memref<1x128xi32, #tpu.memory_space<vmem>>
          %dma_wait3A_293 = tpu.memref_squeeze %dma_wait3A_292 : memref<1x128xi32, #tpu.memory_space<vmem>> -> memref<128xi32, #tpu.memory_space<vmem>>
          %dma_wait3A_294 = arith.constant 0 : i32
          %dma_wait3A_295 = arith.constant 0 : i32
          %dma_wait3A_296 = tpu.memref_slice %arg8[%dma_wait3A_294, %dma_wait3A_295] : memref<10240x128xf32, #tpu.memory_space<vmem_shared>> -> memref<10240x128xf32, #tpu.memory_space<vmem_shared>>
          %dma_wait3A_297 = tpu.memref_slice %arg11[%rem3A_201] : memref<2x!tpu.dma_semaphore, #tpu.memory_space<semaphore_mem>> -> memref<1x!tpu.dma_semaphore, #tpu.memory_space<semaphore_mem>>
          %dma_wait3A_298 = tpu.memref_squeeze %dma_wait3A_297 : memref<1x!tpu.dma_semaphore, #tpu.memory_space<semaphore_mem>> -> memref<!tpu.dma_semaphore, #tpu.memory_space<semaphore_mem>>
          tpu.wait_indirect_dma semaphore(%dma_wait3A_298 : memref<!tpu.dma_semaphore, #tpu.memory_space<semaphore_mem>>) src(%dma_wait3A_290 : memref<128x128xf32, #tpu.memory_space<vmem>>) dst(%dma_wait3A_296 : memref<10240x128xf32, #tpu.memory_space<vmem_shared>>)
        } else {
        }
        %add3A_240 = arith.constant 3 : i32
        %add3A_241 = arith.addi %while3A_195, %add3A_240 : i32
        %lt3A_242 = arith.cmpi slt, %add3A_241, %select_n3A : i32
        %convert_element_type3A_243 = arith.extui %lt3A_242 : i1 to i32
        %cond3A_244 = arith.constant 0 : i32
        %cond3A_245 = arith.cmpi ne, %convert_element_type3A_243, %cond3A_244 : i32
        scf.if %cond3A_245 {
          %add3A_286 = arith.constant 3 : i32
          %add3A_287 = arith.addi %while3A_195, %add3A_286 : i32
          %add3A_288 = arith.constant 3 : i32
          %add3A_289 = arith.addi %while3A_195, %add3A_288 : i32
          %rem3A_290 = arith.constant 4 : i32
          %rem3A_291 = arith.remsi %add3A_289, %rem3A_290 : i32
          %mul3A_292 = arith.constant 32 : i32
          %mul3A_293 = arith.muli %add3A_287, %mul3A_292 : i32
          %add3A_294 = arith.addi %add3A, %mul3A_293 : i32
          %mul3A_295 = arith.constant 128 : i32
          %mul3A_296 = arith.muli %add3A_294, %mul3A_295 : i32
          %dma_start3A_297 = arith.constant 0 : i32
          %dma_start3A_298 = tpu.memref_slice %arg5[%rem3A_291, %dma_start3A_297] : memref<4x128xi32, #tpu.memory_space<vmem>> -> memref<1x128xi32, #tpu.memory_space<vmem>>
          %dma_start3A_299 = tpu.memref_squeeze %dma_start3A_298 : memref<1x128xi32, #tpu.memory_space<vmem>> -> memref<128xi32, #tpu.memory_space<vmem>>
          %dma_start3A_300 = tpu.memref_slice %arg3[%mul3A_296] : memref<640000xi32, #tpu.memory_space<hbm>> -> memref<128xi32, #tpu.memory_space<hbm>>
          %dma_start3A_301 = tpu.memref_slice %arg9[%rem3A_291] : memref<4x!tpu.dma_semaphore, #tpu.memory_space<semaphore_mem>> -> memref<1x!tpu.dma_semaphore, #tpu.memory_space<semaphore_mem>>
          %dma_start3A_302 = tpu.memref_squeeze %dma_start3A_301 : memref<1x!tpu.dma_semaphore, #tpu.memory_space<semaphore_mem>> -> memref<!tpu.dma_semaphore, #tpu.memory_space<semaphore_mem>>
          %dma_start3A_303 = arith.constant 0 : i32
          %dma_start3A_304 = tpu.memref_slice %arg5[%rem3A_291, %dma_start3A_303] : memref<4x128xi32, #tpu.memory_space<vmem>> -> memref<1x128xi32, #tpu.memory_space<vmem>>
          %dma_start3A_305 = tpu.memref_squeeze %dma_start3A_304 : memref<1x128xi32, #tpu.memory_space<vmem>> -> memref<128xi32, #tpu.memory_space<vmem>>
          %dma_start3A_306 = tpu.memref_slice %arg3[%mul3A_296] : memref<640000xi32, #tpu.memory_space<hbm>> -> memref<128xi32, #tpu.memory_space<hbm>>
          tpu.enqueue_dma source(%dma_start3A_306 : memref<128xi32, #tpu.memory_space<hbm>>) target(%dma_start3A_305 : memref<128xi32, #tpu.memory_space<vmem>>) target_semaphore(%dma_start3A_302 : memref<!tpu.dma_semaphore, #tpu.memory_space<semaphore_mem>>)
          %add3A_307 = arith.constant 320000 : i32
          %add3A_308 = arith.addi %add3A_307, %mul3A_296 : i32
          %dma_start3A_309 = arith.constant 0 : i32
          %dma_start3A_310 = tpu.memref_slice %arg6[%rem3A_291, %dma_start3A_309] : memref<4x128xi32, #tpu.memory_space<vmem>> -> memref<1x128xi32, #tpu.memory_space<vmem>>
          %dma_start3A_311 = tpu.memref_squeeze %dma_start3A_310 : memref<1x128xi32, #tpu.memory_space<vmem>> -> memref<128xi32, #tpu.memory_space<vmem>>
          %dma_start3A_312 = tpu.memref_slice %arg3[%add3A_308] : memref<640000xi32, #tpu.memory_space<hbm>> -> memref<128xi32, #tpu.memory_space<hbm>>
          %dma_start3A_313 = tpu.memref_slice %arg9[%rem3A_291] : memref<4x!tpu.dma_semaphore, #tpu.memory_space<semaphore_mem>> -> memref<1x!tpu.dma_semaphore, #tpu.memory_space<semaphore_mem>>
          %dma_start3A_314 = tpu.memref_squeeze %dma_start3A_313 : memref<1x!tpu.dma_semaphore, #tpu.memory_space<semaphore_mem>> -> memref<!tpu.dma_semaphore, #tpu.memory_space<semaphore_mem>>
          %dma_start3A_315 = arith.constant 0 : i32
          %dma_start3A_316 = tpu.memref_slice %arg6[%rem3A_291, %dma_start3A_315] : memref<4x128xi32, #tpu.memory_space<vmem>> -> memref<1x128xi32, #tpu.memory_space<vmem>>
          %dma_start3A_317 = tpu.memref_squeeze %dma_start3A_316 : memref<1x128xi32, #tpu.memory_space<vmem>> -> memref<128xi32, #tpu.memory_space<vmem>>
          %dma_start3A_318 = tpu.memref_slice %arg3[%add3A_308] : memref<640000xi32, #tpu.memory_space<hbm>> -> memref<128xi32, #tpu.memory_space<hbm>>
          tpu.enqueue_dma source(%dma_start3A_318 : memref<128xi32, #tpu.memory_space<hbm>>) target(%dma_start3A_317 : memref<128xi32, #tpu.memory_space<vmem>>) target_semaphore(%dma_start3A_314 : memref<!tpu.dma_semaphore, #tpu.memory_space<semaphore_mem>>)
        } else {
        }
        %add3A_246 = arith.constant 1 : i32
        %add3A_247 = arith.addi %while3A_195, %add3A_246 : i32
        %rem3A_248 = arith.constant 4 : i32
        %rem3A_249 = arith.remsi %add3A_247, %rem3A_248 : i32
        %dma_wait3A_250 = arith.constant 0 : i32
        %dma_wait3A_251 = tpu.memref_slice %arg5[%rem3A_249, %dma_wait3A_250] : memref<4x128xi32, #tpu.memory_space<vmem>> -> memref<1x128xi32, #tpu.memory_space<vmem>>
        %dma_wait3A_252 = tpu.memref_squeeze %dma_wait3A_251 : memref<1x128xi32, #tpu.memory_space<vmem>> -> memref<128xi32, #tpu.memory_space<vmem>>
        %dma_wait3A_253 = arith.constant 0 : i32
        %dma_wait3A_254 = tpu.memref_slice %arg3[%dma_wait3A_253] : memref<640000xi32, #tpu.memory_space<hbm>> -> memref<128xi32, #tpu.memory_space<hbm>>
        %dma_wait3A_255 = tpu.memref_slice %arg9[%rem3A_249] : memref<4x!tpu.dma_semaphore, #tpu.memory_space<semaphore_mem>> -> memref<1x!tpu.dma_semaphore, #tpu.memory_space<semaphore_mem>>
        %dma_wait3A_256 = tpu.memref_squeeze %dma_wait3A_255 : memref<1x!tpu.dma_semaphore, #tpu.memory_space<semaphore_mem>> -> memref<!tpu.dma_semaphore, #tpu.memory_space<semaphore_mem>>
        %dma_wait3A_257 = arith.constant 0 : i32
        %dma_wait3A_258 = tpu.memref_slice %arg5[%rem3A_249, %dma_wait3A_257] : memref<4x128xi32, #tpu.memory_space<vmem>> -> memref<1x128xi32, #tpu.memory_space<vmem>>
        %dma_wait3A_259 = tpu.memref_squeeze %dma_wait3A_258 : memref<1x128xi32, #tpu.memory_space<vmem>> -> memref<128xi32, #tpu.memory_space<vmem>>
        %dma_wait3A_260 = arith.constant 0 : i32
        %dma_wait3A_261 = tpu.memref_slice %arg3[%dma_wait3A_260] : memref<640000xi32, #tpu.memory_space<hbm>> -> memref<128xi32, #tpu.memory_space<hbm>>
        tpu.wait_dma2 semaphore(%dma_wait3A_256 : memref<!tpu.dma_semaphore, #tpu.memory_space<semaphore_mem>>) src(%dma_wait3A_261 : memref<128xi32, #tpu.memory_space<hbm>>) dst(%dma_wait3A_259 : memref<128xi32, #tpu.memory_space<vmem>>)
        %dma_wait3A_262 = arith.constant 0 : i32
        %dma_wait3A_263 = tpu.memref_slice %arg6[%rem3A_249, %dma_wait3A_262] : memref<4x128xi32, #tpu.memory_space<vmem>> -> memref<1x128xi32, #tpu.memory_space<vmem>>
        %dma_wait3A_264 = tpu.memref_squeeze %dma_wait3A_263 : memref<1x128xi32, #tpu.memory_space<vmem>> -> memref<128xi32, #tpu.memory_space<vmem>>
        %dma_wait3A_265 = arith.constant 0 : i32
        %dma_wait3A_266 = tpu.memref_slice %arg3[%dma_wait3A_265] : memref<640000xi32, #tpu.memory_space<hbm>> -> memref<128xi32, #tpu.memory_space<hbm>>
        %dma_wait3A_267 = tpu.memref_slice %arg9[%rem3A_249] : memref<4x!tpu.dma_semaphore, #tpu.memory_space<semaphore_mem>> -> memref<1x!tpu.dma_semaphore, #tpu.memory_space<semaphore_mem>>
        %dma_wait3A_268 = tpu.memref_squeeze %dma_wait3A_267 : memref<1x!tpu.dma_semaphore, #tpu.memory_space<semaphore_mem>> -> memref<!tpu.dma_semaphore, #tpu.memory_space<semaphore_mem>>
        %dma_wait3A_269 = arith.constant 0 : i32
        %dma_wait3A_270 = tpu.memref_slice %arg6[%rem3A_249, %dma_wait3A_269] : memref<4x128xi32, #tpu.memory_space<vmem>> -> memref<1x128xi32, #tpu.memory_space<vmem>>
        %dma_wait3A_271 = tpu.memref_squeeze %dma_wait3A_270 : memref<1x128xi32, #tpu.memory_space<vmem>> -> memref<128xi32, #tpu.memory_space<vmem>>
        %dma_wait3A_272 = arith.constant 0 : i32
        %dma_wait3A_273 = tpu.memref_slice %arg3[%dma_wait3A_272] : memref<640000xi32, #tpu.memory_space<hbm>> -> memref<128xi32, #tpu.memory_space<hbm>>
        tpu.wait_dma2 semaphore(%dma_wait3A_268 : memref<!tpu.dma_semaphore, #tpu.memory_space<semaphore_mem>>) src(%dma_wait3A_273 : memref<128xi32, #tpu.memory_space<hbm>>) dst(%dma_wait3A_271 : memref<128xi32, #tpu.memory_space<vmem>>)
        %dma_start3A_274 = arith.constant 0 : i32
        %dma_start3A_275 = arith.constant 0 : i32
        %dma_start3A_276 = tpu.memref_slice %arg7[%rem3A_201, %dma_start3A_274, %dma_start3A_275] : memref<2x128x128xf32, #tpu.memory_space<vmem>> -> memref<1x128x128xf32, #tpu.memory_space<vmem>>
        %dma_start3A_277 = tpu.memref_squeeze %dma_start3A_276 : memref<1x128x128xf32, #tpu.memory_space<vmem>> -> memref<128x128xf32, #tpu.memory_space<vmem>>
        %dma_start3A_278 = arith.constant 0 : i32
        %dma_start3A_279 = tpu.memref_slice %arg5[%rem3A_249, %dma_start3A_278] : memref<4x128xi32, #tpu.memory_space<vmem>> -> memref<1x128xi32, #tpu.memory_space<vmem>>
        %dma_start3A_280 = tpu.memref_squeeze %dma_start3A_279 : memref<1x128xi32, #tpu.memory_space<vmem>> -> memref<128xi32, #tpu.memory_space<vmem>>
        %dma_start3A_281 = arith.constant 0 : i32
        %dma_start3A_282 = arith.constant 0 : i32
        %dma_start3A_283 = tpu.memref_slice %arg2[%dma_start3A_281, %dma_start3A_282] : memref<10000x128xf32, #tpu.memory_space<hbm>> -> memref<10000x128xf32, #tpu.memory_space<hbm>>
        %dma_start3A_284 = tpu.memref_slice %arg10[%rem3A_201] : memref<2x!tpu.dma_semaphore, #tpu.memory_space<semaphore_mem>> -> memref<1x!tpu.dma_semaphore, #tpu.memory_space<semaphore_mem>>
        %dma_start3A_285 = tpu.memref_squeeze %dma_start3A_284 : memref<1x!tpu.dma_semaphore, #tpu.memory_space<semaphore_mem>> -> memref<!tpu.dma_semaphore, #tpu.memory_space<semaphore_mem>>
        tpu.enqueue_indirect_dma source(%dma_start3A_283 : memref<10000x128xf32, #tpu.memory_space<hbm>>) target(%dma_start3A_277 : memref<128x128xf32, #tpu.memory_space<vmem>>) offsets(%dma_start3A_280 : memref<128xi32, #tpu.memory_space<vmem>>) semaphore(%dma_start3A_285 : memref<!tpu.dma_semaphore, #tpu.memory_space<semaphore_mem>>)
      } else {
      }
      %rem3A_206 = arith.constant 4 : i32
      %rem3A_207 = arith.remsi %while3A_195, %rem3A_206 : i32
      %dma_wait3A_208 = arith.constant 0 : i32
      %dma_wait3A_209 = arith.constant 0 : i32
      %dma_wait3A_210 = tpu.memref_slice %arg7[%rem3A_197, %dma_wait3A_208, %dma_wait3A_209] : memref<2x128x128xf32, #tpu.memory_space<vmem>> -> memref<1x128x128xf32, #tpu.memory_space<vmem>>
      %dma_wait3A_211 = tpu.memref_squeeze %dma_wait3A_210 : memref<1x128x128xf32, #tpu.memory_space<vmem>> -> memref<128x128xf32, #tpu.memory_space<vmem>>
      %dma_wait3A_212 = arith.constant 0 : i32
      %dma_wait3A_213 = tpu.memref_slice %arg5[%rem3A_207, %dma_wait3A_212] : memref<4x128xi32, #tpu.memory_space<vmem>> -> memref<1x128xi32, #tpu.memory_space<vmem>>
      %dma_wait3A_214 = tpu.memref_squeeze %dma_wait3A_213 : memref<1x128xi32, #tpu.memory_space<vmem>> -> memref<128xi32, #tpu.memory_space<vmem>>
      %dma_wait3A_215 = arith.constant 0 : i32
      %dma_wait3A_216 = arith.constant 0 : i32
      %dma_wait3A_217 = tpu.memref_slice %arg2[%dma_wait3A_215, %dma_wait3A_216] : memref<10000x128xf32, #tpu.memory_space<hbm>> -> memref<10000x128xf32, #tpu.memory_space<hbm>>
      %dma_wait3A_218 = tpu.memref_slice %arg10[%rem3A_197] : memref<2x!tpu.dma_semaphore, #tpu.memory_space<semaphore_mem>> -> memref<1x!tpu.dma_semaphore, #tpu.memory_space<semaphore_mem>>
      %dma_wait3A_219 = tpu.memref_squeeze %dma_wait3A_218 : memref<1x!tpu.dma_semaphore, #tpu.memory_space<semaphore_mem>> -> memref<!tpu.dma_semaphore, #tpu.memory_space<semaphore_mem>>
      tpu.wait_indirect_dma semaphore(%dma_wait3A_219 : memref<!tpu.dma_semaphore, #tpu.memory_space<semaphore_mem>>) src(%dma_wait3A_217 : memref<10000x128xf32, #tpu.memory_space<hbm>>) dst(%dma_wait3A_211 : memref<128x128xf32, #tpu.memory_space<vmem>>)
      %rem3A_220 = arith.constant 4 : i32
      %rem3A_221 = arith.remsi %while3A_195, %rem3A_220 : i32
      %dma_start3A_222 = arith.constant 0 : i32
      %dma_start3A_223 = arith.constant 0 : i32
      %dma_start3A_224 = tpu.memref_slice %arg7[%rem3A_197, %dma_start3A_222, %dma_start3A_223] : memref<2x128x128xf32, #tpu.memory_space<vmem>> -> memref<1x128x128xf32, #tpu.memory_space<vmem>>
      %dma_start3A_225 = tpu.memref_squeeze %dma_start3A_224 : memref<1x128x128xf32, #tpu.memory_space<vmem>> -> memref<128x128xf32, #tpu.memory_space<vmem>>
      %dma_start3A_226 = arith.constant 0 : i32
      %dma_start3A_227 = tpu.memref_slice %arg6[%rem3A_221, %dma_start3A_226] : memref<4x128xi32, #tpu.memory_space<vmem>> -> memref<1x128xi32, #tpu.memory_space<vmem>>
      %dma_start3A_228 = tpu.memref_squeeze %dma_start3A_227 : memref<1x128xi32, #tpu.memory_space<vmem>> -> memref<128xi32, #tpu.memory_space<vmem>>
      %dma_start3A_229 = arith.constant 0 : i32
      %dma_start3A_230 = arith.constant 0 : i32
      %dma_start3A_231 = tpu.memref_slice %arg8[%dma_start3A_229, %dma_start3A_230] : memref<10240x128xf32, #tpu.memory_space<vmem_shared>> -> memref<10240x128xf32, #tpu.memory_space<vmem_shared>>
      %dma_start3A_232 = tpu.memref_slice %arg11[%rem3A_197] : memref<2x!tpu.dma_semaphore, #tpu.memory_space<semaphore_mem>> -> memref<1x!tpu.dma_semaphore, #tpu.memory_space<semaphore_mem>>
      %dma_start3A_233 = tpu.memref_squeeze %dma_start3A_232 : memref<1x!tpu.dma_semaphore, #tpu.memory_space<semaphore_mem>> -> memref<!tpu.dma_semaphore, #tpu.memory_space<semaphore_mem>>
      tpu.enqueue_indirect_dma source(%dma_start3A_225 : memref<128x128xf32, #tpu.memory_space<vmem>>) target(%dma_start3A_231 : memref<10240x128xf32, #tpu.memory_space<vmem_shared>>) offsets(%dma_start3A_228 : memref<128xi32, #tpu.memory_space<vmem>>) semaphore(%dma_start3A_233 : memref<!tpu.dma_semaphore, #tpu.memory_space<semaphore_mem>>) {add = true}
    }
    %sub3A = arith.constant 1 : i32
    %sub3A_153 = arith.subi %select_n3A, %sub3A : i32
    %sub3A_154 = arith.constant 0 : i32
    %sub3A_155 = arith.subi %sub3A_153, %sub3A_154 : i32
    %rem3A = arith.constant 2 : i32
    %rem3A_156 = arith.remsi %sub3A_155, %rem3A : i32
    %dma_wait3A_157 = arith.constant 0 : i32
    %dma_wait3A_158 = arith.constant 0 : i32
    %dma_wait3A_159 = arith.constant 0 : i32
    %dma_wait3A_160 = tpu.memref_slice %arg7[%rem3A_156, %dma_wait3A_158, %dma_wait3A_159] : memref<2x128x128xf32, #tpu.memory_space<vmem>> -> memref<1x128x128xf32, #tpu.memory_space<vmem>>
    %dma_wait3A_161 = tpu.memref_squeeze %dma_wait3A_160 : memref<1x128x128xf32, #tpu.memory_space<vmem>> -> memref<128x128xf32, #tpu.memory_space<vmem>>
    %dma_wait3A_162 = arith.constant 0 : i32
    %dma_wait3A_163 = tpu.memref_slice %arg6[%dma_wait3A_157, %dma_wait3A_162] : memref<4x128xi32, #tpu.memory_space<vmem>> -> memref<1x128xi32, #tpu.memory_space<vmem>>
    %dma_wait3A_164 = tpu.memref_squeeze %dma_wait3A_163 : memref<1x128xi32, #tpu.memory_space<vmem>> -> memref<128xi32, #tpu.memory_space<vmem>>
    %dma_wait3A_165 = arith.constant 0 : i32
    %dma_wait3A_166 = arith.constant 0 : i32
    %dma_wait3A_167 = tpu.memref_slice %arg8[%dma_wait3A_165, %dma_wait3A_166] : memref<10240x128xf32, #tpu.memory_space<vmem_shared>> -> memref<10240x128xf32, #tpu.memory_space<vmem_shared>>
    %dma_wait3A_168 = tpu.memref_slice %arg11[%rem3A_156] : memref<2x!tpu.dma_semaphore, #tpu.memory_space<semaphore_mem>> -> memref<1x!tpu.dma_semaphore, #tpu.memory_space<semaphore_mem>>
    %dma_wait3A_169 = tpu.memref_squeeze %dma_wait3A_168 : memref<1x!tpu.dma_semaphore, #tpu.memory_space<semaphore_mem>> -> memref<!tpu.dma_semaphore, #tpu.memory_space<semaphore_mem>>
    tpu.wait_indirect_dma semaphore(%dma_wait3A_169 : memref<!tpu.dma_semaphore, #tpu.memory_space<semaphore_mem>>) src(%dma_wait3A_161 : memref<128x128xf32, #tpu.memory_space<vmem>>) dst(%dma_wait3A_167 : memref<10240x128xf32, #tpu.memory_space<vmem_shared>>)
    %sub3A_170 = arith.constant 1 : i32
    %sub3A_171 = arith.subi %select_n3A, %sub3A_170 : i32
    %sub3A_172 = arith.constant 1 : i32
    %sub3A_173 = arith.subi %sub3A_171, %sub3A_172 : i32
    %rem3A_174 = arith.constant 2 : i32
    %rem3A_175 = arith.remsi %sub3A_173, %rem3A_174 : i32
    %dma_wait3A_176 = arith.constant 0 : i32
    %dma_wait3A_177 = arith.constant 0 : i32
    %dma_wait3A_178 = arith.constant 0 : i32
    %dma_wait3A_179 = tpu.memref_slice %arg7[%rem3A_175, %dma_wait3A_177, %dma_wait3A_178] : memref<2x128x128xf32, #tpu.memory_space<vmem>> -> memref<1x128x128xf32, #tpu.memory_space<vmem>>
    %dma_wait3A_180 = tpu.memref_squeeze %dma_wait3A_179 : memref<1x128x128xf32, #tpu.memory_space<vmem>> -> memref<128x128xf32, #tpu.memory_space<vmem>>
    %dma_wait3A_181 = arith.constant 0 : i32
    %dma_wait3A_182 = tpu.memref_slice %arg6[%dma_wait3A_176, %dma_wait3A_181] : memref<4x128xi32, #tpu.memory_space<vmem>> -> memref<1x128xi32, #tpu.memory_space<vmem>>
    %dma_wait3A_183 = tpu.memref_squeeze %dma_wait3A_182 : memref<1x128xi32, #tpu.memory_space<vmem>> -> memref<128xi32, #tpu.memory_space<vmem>>
    %dma_wait3A_184 = arith.constant 0 : i32
    %dma_wait3A_185 = arith.constant 0 : i32
    %dma_wait3A_186 = tpu.memref_slice %arg8[%dma_wait3A_184, %dma_wait3A_185] : memref<10240x128xf32, #tpu.memory_space<vmem_shared>> -> memref<10240x128xf32, #tpu.memory_space<vmem_shared>>
    %dma_wait3A_187 = tpu.memref_slice %arg11[%rem3A_175] : memref<2x!tpu.dma_semaphore, #tpu.memory_space<semaphore_mem>> -> memref<1x!tpu.dma_semaphore, #tpu.memory_space<semaphore_mem>>
    %dma_wait3A_188 = tpu.memref_squeeze %dma_wait3A_187 : memref<1x!tpu.dma_semaphore, #tpu.memory_space<semaphore_mem>> -> memref<!tpu.dma_semaphore, #tpu.memory_space<semaphore_mem>>
    tpu.wait_indirect_dma semaphore(%dma_wait3A_188 : memref<!tpu.dma_semaphore, #tpu.memory_space<semaphore_mem>>) src(%dma_wait3A_180 : memref<128x128xf32, #tpu.memory_space<vmem>>) dst(%dma_wait3A_186 : memref<10240x128xf32, #tpu.memory_space<vmem_shared>>)
    %barrier3A_189 = arith.constant 0 : index
    tpu.barrier barrier_id(%barrier3A_189)
    %scan3A_190 = arith.constant 0 : i32
    %scan3A_191 = arith.constant 5 : i32
    %scan3A_192 = arith.addi %scan3A_190, %scan3A_191 : i32
    %scan3A_193 = arith.constant 1 : i32
    scf.for %scan3A_195 = %scan3A_190 to %scan3A_192 step %scan3A_193  : i32 {
      %mul3A_196 = arith.constant 640 : i32
      %mul3A_197 = arith.muli %arg1, %mul3A_196 : i32
      %mul3A_198 = arith.constant 128 : i32
      %mul3A_199 = arith.muli %scan3A_195, %mul3A_198 : i32
      %add3A_200 = arith.addi %mul3A_197, %mul3A_199 : i32
      %run_scoped3A = arith.constant 0 : i32
      "tpu.region"() ({
        %run_scoped3A_202 = tpu.sem_alloc : memref<!tpu.dma_semaphore, #tpu.memory_space<semaphore_mem>>
        %dma_start3A_203 = arith.constant 0 : i32
        %dma_start3A_204 = arith.constant 0 : i32
        %dma_start3A_205 = tpu.memref_slice %arg7[%run_scoped3A, %dma_start3A_203, %dma_start3A_204] : memref<2x128x128xf32, #tpu.memory_space<vmem>> -> memref<1x128x128xf32, #tpu.memory_space<vmem>>
        %dma_start3A_206 = tpu.memref_squeeze %dma_start3A_205 : memref<1x128x128xf32, #tpu.memory_space<vmem>> -> memref<128x128xf32, #tpu.memory_space<vmem>>
        %dma_start3A_207 = arith.constant 0 : i32
        %dma_start3A_208 = tpu.memref_slice %arg8[%add3A_200, %dma_start3A_207] : memref<10240x128xf32, #tpu.memory_space<vmem_shared>> -> memref<128x128xf32, #tpu.memory_space<vmem_shared>>
        %dma_start3A_209 = arith.constant 0 : i32
        %dma_start3A_210 = arith.constant 0 : i32
        %dma_start3A_211 = tpu.memref_slice %arg7[%run_scoped3A, %dma_start3A_209, %dma_start3A_210] : memref<2x128x128xf32, #tpu.memory_space<vmem>> -> memref<1x128x128xf32, #tpu.memory_space<vmem>>
        %dma_start3A_212 = tpu.memref_squeeze %dma_start3A_211 : memref<1x128x128xf32, #tpu.memory_space<vmem>> -> memref<128x128xf32, #tpu.memory_space<vmem>>
        %dma_start3A_213 = arith.constant 0 : i32
        %dma_start3A_214 = tpu.memref_slice %arg8[%add3A_200, %dma_start3A_213] : memref<10240x128xf32, #tpu.memory_space<vmem_shared>> -> memref<128x128xf32, #tpu.memory_space<vmem_shared>>
        tpu.enqueue_dma source(%dma_start3A_214 : memref<128x128xf32, #tpu.memory_space<vmem_shared>>) target(%dma_start3A_212 : memref<128x128xf32, #tpu.memory_space<vmem>>) target_semaphore(%run_scoped3A_202 : memref<!tpu.dma_semaphore, #tpu.memory_space<semaphore_mem>>)
        %dma_wait3A_215 = arith.constant 0 : i32
        %dma_wait3A_216 = arith.constant 0 : i32
        %dma_wait3A_217 = tpu.memref_slice %arg7[%run_scoped3A, %dma_wait3A_215, %dma_wait3A_216] : memref<2x128x128xf32, #tpu.memory_space<vmem>> -> memref<1x128x128xf32, #tpu.memory_space<vmem>>
        %dma_wait3A_218 = tpu.memref_squeeze %dma_wait3A_217 : memref<1x128x128xf32, #tpu.memory_space<vmem>> -> memref<128x128xf32, #tpu.memory_space<vmem>>
        %dma_wait3A_219 = arith.constant 0 : i32
        %dma_wait3A_220 = tpu.memref_slice %arg8[%add3A_200, %dma_wait3A_219] : memref<10240x128xf32, #tpu.memory_space<vmem_shared>> -> memref<128x128xf32, #tpu.memory_space<vmem_shared>>
        %dma_wait3A_221 = arith.constant 0 : i32
        %dma_wait3A_222 = arith.constant 0 : i32
        %dma_wait3A_223 = tpu.memref_slice %arg7[%run_scoped3A, %dma_wait3A_221, %dma_wait3A_222] : memref<2x128x128xf32, #tpu.memory_space<vmem>> -> memref<1x128x128xf32, #tpu.memory_space<vmem>>
        %dma_wait3A_224 = tpu.memref_squeeze %dma_wait3A_223 : memref<1x128x128xf32, #tpu.memory_space<vmem>> -> memref<128x128xf32, #tpu.memory_space<vmem>>
        %dma_wait3A_225 = arith.constant 0 : i32
        %dma_wait3A_226 = tpu.memref_slice %arg8[%add3A_200, %dma_wait3A_225] : memref<10240x128xf32, #tpu.memory_space<vmem_shared>> -> memref<128x128xf32, #tpu.memory_space<vmem_shared>>
        tpu.wait_dma2 semaphore(%run_scoped3A_202 : memref<!tpu.dma_semaphore, #tpu.memory_space<semaphore_mem>>) src(%dma_wait3A_226 : memref<128x128xf32, #tpu.memory_space<vmem_shared>>) dst(%dma_wait3A_224 : memref<128x128xf32, #tpu.memory_space<vmem>>)
        tpu.yield
      }) : () -> ()
      %run_scoped3A_201 = arith.constant 0 : i32
      "tpu.region"() ({
        %run_scoped3A_202 = tpu.sem_alloc : memref<!tpu.dma_semaphore, #tpu.memory_space<semaphore_mem>>
        %dma_start3A_203 = arith.constant 0 : i32
        %dma_start3A_204 = arith.constant 0 : i32
        %dma_start3A_205 = tpu.memref_slice %arg7[%run_scoped3A_201, %dma_start3A_203, %dma_start3A_204] : memref<2x128x128xf32, #tpu.memory_space<vmem>> -> memref<1x128x128xf32, #tpu.memory_space<vmem>>
        %dma_start3A_206 = tpu.memref_squeeze %dma_start3A_205 : memref<1x128x128xf32, #tpu.memory_space<vmem>> -> memref<128x128xf32, #tpu.memory_space<vmem>>
        %dma_start3A_207 = arith.constant 0 : i32
        %dma_start3A_208 = tpu.memref_slice %arg4[%arg0, %add3A_200, %dma_start3A_207] : memref<2x10240x128xf32, #tpu.memory_space<hbm>> -> memref<1x128x128xf32, #tpu.memory_space<hbm>>
        %dma_start3A_209 = tpu.memref_squeeze %dma_start3A_208 : memref<1x128x128xf32, #tpu.memory_space<hbm>> -> memref<128x128xf32, #tpu.memory_space<hbm>>
        %dma_start3A_210 = arith.constant 0 : i32
        %dma_start3A_211 = tpu.memref_slice %arg4[%arg0, %add3A_200, %dma_start3A_210] : memref<2x10240x128xf32, #tpu.memory_space<hbm>> -> memref<1x128x128xf32, #tpu.memory_space<hbm>>
        %dma_start3A_212 = tpu.memref_squeeze %dma_start3A_211 : memref<1x128x128xf32, #tpu.memory_space<hbm>> -> memref<128x128xf32, #tpu.memory_space<hbm>>
        %dma_start3A_213 = arith.constant 0 : i32
        %dma_start3A_214 = arith.constant 0 : i32
        %dma_start3A_215 = tpu.memref_slice %arg7[%run_scoped3A_201, %dma_start3A_213, %dma_start3A_214] : memref<2x128x128xf32, #tpu.memory_space<vmem>> -> memref<1x128x128xf32, #tpu.memory_space<vmem>>
        %dma_start3A_216 = tpu.memref_squeeze %dma_start3A_215 : memref<1x128x128xf32, #tpu.memory_space<vmem>> -> memref<128x128xf32, #tpu.memory_space<vmem>>
        tpu.enqueue_dma source(%dma_start3A_216 : memref<128x128xf32, #tpu.memory_space<vmem>>) target(%dma_start3A_212 : memref<128x128xf32, #tpu.memory_space<hbm>>) target_semaphore(%run_scoped3A_202 : memref<!tpu.dma_semaphore, #tpu.memory_space<semaphore_mem>>)
        %dma_wait3A_217 = arith.constant 0 : i32
        %dma_wait3A_218 = arith.constant 0 : i32
        %dma_wait3A_219 = tpu.memref_slice %arg7[%run_scoped3A_201, %dma_wait3A_217, %dma_wait3A_218] : memref<2x128x128xf32, #tpu.memory_space<vmem>> -> memref<1x128x128xf32, #tpu.memory_space<vmem>>
        %dma_wait3A_220 = tpu.memref_squeeze %dma_wait3A_219 : memref<1x128x128xf32, #tpu.memory_space<vmem>> -> memref<128x128xf32, #tpu.memory_space<vmem>>
        %dma_wait3A_221 = arith.constant 0 : i32
        %dma_wait3A_222 = tpu.memref_slice %arg4[%arg0, %add3A_200, %dma_wait3A_221] : memref<2x10240x128xf32, #tpu.memory_space<hbm>> -> memref<1x128x128xf32, #tpu.memory_space<hbm>>
        %dma_wait3A_223 = tpu.memref_squeeze %dma_wait3A_222 : memref<1x128x128xf32, #tpu.memory_space<hbm>> -> memref<128x128xf32, #tpu.memory_space<hbm>>
        %dma_wait3A_224 = arith.constant 0 : i32
        %dma_wait3A_225 = tpu.memref_slice %arg4[%arg0, %add3A_200, %dma_wait3A_224] : memref<2x10240x128xf32, #tpu.memory_space<hbm>> -> memref<1x128x128xf32, #tpu.memory_space<hbm>>
        %dma_wait3A_226 = tpu.memref_squeeze %dma_wait3A_225 : memref<1x128x128xf32, #tpu.memory_space<hbm>> -> memref<128x128xf32, #tpu.memory_space<hbm>>
        %dma_wait3A_227 = arith.constant 0 : i32
        %dma_wait3A_228 = arith.constant 0 : i32
        %dma_wait3A_229 = tpu.memref_slice %arg7[%run_scoped3A_201, %dma_wait3A_227, %dma_wait3A_228] : memref<2x128x128xf32, #tpu.memory_space<vmem>> -> memref<1x128x128xf32, #tpu.memory_space<vmem>>
        %dma_wait3A_230 = tpu.memref_squeeze %dma_wait3A_229 : memref<1x128x128xf32, #tpu.memory_space<vmem>> -> memref<128x128xf32, #tpu.memory_space<vmem>>
        tpu.wait_dma2 semaphore(%run_scoped3A_202 : memref<!tpu.dma_semaphore, #tpu.memory_space<semaphore_mem>>) src(%dma_wait3A_230 : memref<128x128xf32, #tpu.memory_space<vmem>>) dst(%dma_wait3A_226 : memref<128x128xf32, #tpu.memory_space<hbm>>)
        tpu.yield
      }) : () -> ()
    }
    %scan3A_194 = arith.constant 5 : i32
    return
  }
}

module attributes {stable_mosaic.version = 14 : i64} {
  func.func @_prep_body(%arg0: i32, %arg1: memref<2000x128xf32, #tpu.memory_space<vmem>>, %arg2: memref<128x128xf32, #tpu.memory_space<vmem>>, %arg3: memref<2x2000x16xf32, #tpu.memory_space<vmem>>, %arg4: memref<2000x128xf32, #tpu.memory_space<vmem>>) attributes {dimension_semantics = [#tpu.dimension_semantics<arbitrary>], iteration_bounds = array<i64: 5>, scalar_prefetch = 0 : i64, scratch_operands = 0 : i64, tpu.core_type = #tpu.core_type<tc>, window_params = [{transform_indices = @transform_0, window_bounds = array<i64: 2000, 128>}, {pipeline_mode = #tpu.pipeline_mode<synchronous>, transform_indices = @transform_1, window_bounds = array<i64: 128, 128>}, {transform_indices = @transform_2, window_bounds = array<i64: 2, 2000, 16>}, {transform_indices = @transform_3, window_bounds = array<i64: 2000, 128>}]} {
    %get3A = arith.constant 0 : index
    %get3A_0 = arith.constant 0 : index
    %get3A_1 = vector.load %arg1[%get3A, %get3A_0] : memref<2000x128xf32, #tpu.memory_space<vmem>>, vector<2000x128xf32>
    %get3A_2 = arith.constant 0 : index
    %get3A_3 = arith.constant 0 : index
    %get3A_4 = vector.load %arg2[%get3A_2, %get3A_3] : memref<128x128xf32, #tpu.memory_space<vmem>>, vector<128x128xf32>
    %dot_general3A = arith.constant dense<0.000000e+00> : vector<2000x128xf32>
    %dot_general3A_5 = tpu.matmul %get3A_1, %get3A_4, %dot_general3A {dimension_numbers = #tpu.dot_dimension_numbers<[1], [0], [0], [1], [0, 0, 1, 1], [], []>, transpose_lhs_hint = false} : vector<2000x128xf32>, vector<128x128xf32>, vector<2000x128xf32> -> vector<2000x128xf32>
    %get3A_6 = arith.constant 0 : index
    %get3A_7 = arith.constant 0 : index
    %get3A_8 = arith.constant 0 : index
    %get3A_9 = vector.load %arg3[%get3A_6, %get3A_7, %get3A_8] : memref<2x2000x16xf32, #tpu.memory_space<vmem>>, vector<1x2000x1xf32>
    %get3A_10 = vector.shape_cast %get3A_9 : vector<1x2000x1xf32> to vector<2000x1xf32>
    %get3A_11 = arith.constant 1 : index
    %get3A_12 = arith.constant 0 : index
    %get3A_13 = arith.constant 0 : index
    %get3A_14 = vector.load %arg3[%get3A_11, %get3A_12, %get3A_13] : memref<2x2000x16xf32, #tpu.memory_space<vmem>>, vector<1x2000x1xf32>
    %get3A_15 = vector.shape_cast %get3A_14 : vector<1x2000x1xf32> to vector<2000x1xf32>
    %add3A = arith.addf %get3A_10, %get3A_15 : vector<2000x1xf32>
    %add3A_16 = arith.constant 1.000000e+00 : f32
    %add3A_17 = vector.broadcast %add3A_16 : f32 to vector<2000x1xf32>
    %add3A_18 = arith.addf %add3A, %add3A_17 : vector<2000x1xf32>
    %rsqrt3A = math.rsqrt %add3A_18 : vector<2000x1xf32>
    %mul3A = vector.broadcast %rsqrt3A : vector<2000x1xf32> to vector<2000x128xf32>
    %mul3A_19 = arith.mulf %dot_general3A_5, %mul3A : vector<2000x128xf32>
    %swap3A = arith.constant 0 : index
    %swap3A_20 = arith.constant 0 : index
    %swap3A_21 = vector.load %arg4[%swap3A, %swap3A_20] : memref<2000x128xf32, #tpu.memory_space<vmem>>, vector<2000x128xf32>
    tpu.vector_store %arg4[%swap3A, %swap3A_20], %mul3A_19 {strides = array<i32>} : memref<2000x128xf32, #tpu.memory_space<vmem>>, vector<2000x128xf32>,
    return
  }
  func.func @transform_0(%arg0: i32) -> (i32, i32) {
    %c0_i32 = arith.constant 0 : i32
    %c0_i32_0 = arith.constant 0 : i32
    return %arg0, %c0_i32 : i32, i32
  }
  func.func @transform_1(%arg0: i32) -> (i32, i32) {
    %c0_i32 = arith.constant 0 : i32
    %c0_i32_0 = arith.constant 0 : i32
    %c0_i32_1 = arith.constant 0 : i32
    return %c0_i32, %c0_i32_0 : i32, i32
  }
  func.func @transform_2(%arg0: i32) -> (i32, i32, i32) {
    %c0_i32 = arith.constant 0 : i32
    %c0_i32_0 = arith.constant 0 : i32
    %c0_i32_1 = arith.constant 0 : i32
    return %c0_i32, %arg0, %c0_i32_0 : i32, i32, i32
  }
  func.func @transform_3(%arg0: i32) -> (i32, i32) {
    %c0_i32 = arith.constant 0 : i32
    %c0_i32_0 = arith.constant 0 : i32
    return %arg0, %c0_i32 : i32, i32
  }
}

module attributes {stable_mosaic.version = 14 : i64} {
  func.func @_final_body(%arg0: i32, %arg1: memref<2x2000x128xf32, #tpu.memory_space<vmem>>, %arg2: memref<2000x128xf32, #tpu.memory_space<vmem>>, %arg3: memref<2x2000x16xf32, #tpu.memory_space<vmem>>, %arg4: memref<1x128xf32, #tpu.memory_space<vmem>>, %arg5: memref<1x1xf32, #tpu.memory_space<vmem>>, %arg6: memref<2000x128xf32, #tpu.memory_space<vmem>>) attributes {dimension_semantics = [#tpu.dimension_semantics<arbitrary>], iteration_bounds = array<i64: 5>, scalar_prefetch = 0 : i64, scratch_operands = 0 : i64, tpu.core_type = #tpu.core_type<tc>, window_params = [{transform_indices = @transform_0, window_bounds = array<i64: 2, 2000, 128>}, {transform_indices = @transform_1, window_bounds = array<i64: 2000, 128>}, {transform_indices = @transform_2, window_bounds = array<i64: 2, 2000, 16>}, {pipeline_mode = #tpu.pipeline_mode<synchronous>, transform_indices = @transform_3, window_bounds = array<i64: 1, 128>}, {pipeline_mode = #tpu.pipeline_mode<synchronous>, transform_indices = @transform_4, window_bounds = array<i64: 1, 1>}, {transform_indices = @transform_5, window_bounds = array<i64: 2000, 128>}]} {
    %get3A = arith.constant 0 : index
    %get3A_0 = arith.constant 0 : index
    %get3A_1 = arith.constant 0 : index
    %get3A_2 = vector.load %arg3[%get3A, %get3A_0, %get3A_1] : memref<2x2000x16xf32, #tpu.memory_space<vmem>>, vector<1x2000x1xf32>
    %get3A_3 = vector.shape_cast %get3A_2 : vector<1x2000x1xf32> to vector<2000x1xf32>
    %get3A_4 = arith.constant 1 : index
    %get3A_5 = arith.constant 0 : index
    %get3A_6 = arith.constant 0 : index
    %get3A_7 = vector.load %arg3[%get3A_4, %get3A_5, %get3A_6] : memref<2x2000x16xf32, #tpu.memory_space<vmem>>, vector<1x2000x1xf32>
    %get3A_8 = vector.shape_cast %get3A_7 : vector<1x2000x1xf32> to vector<2000x1xf32>
    %add3A = arith.addf %get3A_3, %get3A_8 : vector<2000x1xf32>
    %add3A_9 = arith.constant 1.000000e+00 : f32
    %add3A_10 = vector.broadcast %add3A_9 : f32 to vector<2000x1xf32>
    %add3A_11 = arith.addf %add3A, %add3A_10 : vector<2000x1xf32>
    %rsqrt3A = math.rsqrt %add3A_11 : vector<2000x1xf32>
    %get3A_12 = arith.constant 0 : index
    %get3A_13 = arith.constant 0 : index
    %get3A_14 = arith.constant 0 : index
    %get3A_15 = vector.load %arg1[%get3A_12, %get3A_13, %get3A_14] : memref<2x2000x128xf32, #tpu.memory_space<vmem>>, vector<1x2000x128xf32>
    %get3A_16 = vector.shape_cast %get3A_15 : vector<1x2000x128xf32> to vector<2000x128xf32>
    %get3A_17 = arith.constant 1 : index
    %get3A_18 = arith.constant 0 : index
    %get3A_19 = arith.constant 0 : index
    %get3A_20 = vector.load %arg1[%get3A_17, %get3A_18, %get3A_19] : memref<2x2000x128xf32, #tpu.memory_space<vmem>>, vector<1x2000x128xf32>
    %get3A_21 = vector.shape_cast %get3A_20 : vector<1x2000x128xf32> to vector<2000x128xf32>
    %add3A_22 = arith.addf %get3A_16, %get3A_21 : vector<2000x128xf32>
    %get3A_23 = arith.constant 0 : index
    %get3A_24 = arith.constant 0 : index
    %get3A_25 = vector.load %arg2[%get3A_23, %get3A_24] : memref<2000x128xf32, #tpu.memory_space<vmem>>, vector<2000x128xf32>
    %add3A_26 = arith.addf %add3A_22, %get3A_25 : vector<2000x128xf32>
    %mul3A = vector.broadcast %rsqrt3A : vector<2000x1xf32> to vector<2000x128xf32>
    %mul3A_27 = arith.mulf %mul3A, %add3A_26 : vector<2000x128xf32>
    %get3A_28 = arith.constant 0 : index
    %get3A_29 = arith.constant 0 : index
    %get3A_30 = vector.load %arg4[%get3A_28, %get3A_29] : memref<1x128xf32, #tpu.memory_space<vmem>>, vector<1x128xf32>
    %add3A_31 = vector.broadcast %get3A_30 : vector<1x128xf32> to vector<2000x128xf32>
    %add3A_32 = arith.addf %mul3A_27, %add3A_31 : vector<2000x128xf32>
    %ge3A = arith.constant 0.000000e+00 : f32
    %ge3A_33 = vector.broadcast %ge3A : f32 to vector<2000x128xf32>
    %ge3A_34 = arith.cmpf oge, %add3A_32, %ge3A_33 : vector<2000x128xf32>
    %get3A_35 = arith.constant 0 : index
    %get3A_36 = arith.constant 0 : index
    %get3A_37 = vector.load %arg5[%get3A_35, %get3A_36] : memref<1x1xf32, #tpu.memory_space<vmem>>, vector<1x1xf32>
    %get3A_38 = vector.extract %get3A_37[0, 0] : f32 from vector<1x1xf32>
    %mul3A_39 = vector.broadcast %get3A_38 : f32 to vector<2000x128xf32>
    %mul3A_40 = arith.mulf %mul3A_39, %add3A_32 : vector<2000x128xf32>
    %select_n3A = arith.select %ge3A_34, %add3A_32, %mul3A_40 : vector<2000x128xi1>, vector<2000x128xf32>
    %swap3A = arith.constant 0 : index
    %swap3A_41 = arith.constant 0 : index
    %swap3A_42 = vector.load %arg6[%swap3A, %swap3A_41] : memref<2000x128xf32, #tpu.memory_space<vmem>>, vector<2000x128xf32>
    tpu.vector_store %arg6[%swap3A, %swap3A_41], %select_n3A {strides = array<i32>} : memref<2000x128xf32, #tpu.memory_space<vmem>>, vector<2000x128xf32>,
    return
  }
  func.func @transform_0(%arg0: i32) -> (i32, i32, i32) {
    %c0_i32 = arith.constant 0 : i32
    %c0_i32_0 = arith.constant 0 : i32
    %c0_i32_1 = arith.constant 0 : i32
    return %c0_i32, %arg0, %c0_i32_0 : i32, i32, i32
  }
  func.func @transform_1(%arg0: i32) -> (i32, i32) {
    %c0_i32 = arith.constant 0 : i32
    %c0_i32_0 = arith.constant 0 : i32
    return %arg0, %c0_i32 : i32, i32
  }
  func.func @transform_2(%arg0: i32) -> (i32, i32, i32) {
    %c0_i32 = arith.constant 0 : i32
    %c0_i32_0 = arith.constant 0 : i32
    %c0_i32_1 = arith.constant 0 : i32
    return %c0_i32, %arg0, %c0_i32_0 : i32, i32, i32
  }
  func.func @transform_3(%arg0: i32) -> (i32, i32) {
    %c0_i32 = arith.constant 0 : i32
    %c0_i32_0 = arith.constant 0 : i32
    %c0_i32_1 = arith.constant 0 : i32
    return %c0_i32, %c0_i32_0 : i32, i32
  }
  func.func @transform_4(%arg0: i32) -> (i32, i32) {
    %c0_i32 = arith.constant 0 : i32
    %c0_i32_0 = arith.constant 0 : i32
    %c0_i32_1 = arith.constant 0 : i32
    return %c0_i32, %c0_i32_0 : i32, i32
  }
  func.func @transform_5(%arg0: i32) -> (i32, i32) {
    %c0_i32 = arith.constant 0 : i32
    %c0_i32_0 = arith.constant 0 : i32
    return %arg0, %c0_i32 : i32, i32
  }
}

</mosaic_0001>

<sc_bundles>
// kernel: kernel.6.cloned.1.call-start
scs
__scs_entry_jumppad:
0x0: {  	(pc) =	sbr.rel $0x88, $3  }
0x1: {  	(tag) =	ssettag $0x0;
	lr =	simm.s32 $0x1  }
0x2: {  	[smem:$0x3F9C] =	sst lr;
	_ =	strace $0xD0000000  }
0x3: {  	_ = 	snop  }
0x4: {  	_ = 	snop  }
0x5: {  	_ = 	snop  }
0x6: {  	_ = 	snop  }
0x7: {  	_ = 	snop  }
__scs_overlays_trampoline_lowered:
0x8: {  	[smem:$0x3FAB] =	sst s0  }
0x9: {  	[smem:$0x3FAC] =	sst s1  }
0xa: {  	[smem:$0x3FAD] =	sst s2  }
0xb: {  	[smem:$0x3FAE] =	sst s3  }
0xc: {  	[smem:$0x3FAF] =	sst s4  }
0xd: {  	[smem:$0x3FB0] =	sst s5  }
0xe: {  	[smem:$0x3FB1] =	sst s6  }
0xf: {  	[smem:$0x3FB2] =	sst s7  }
0x10: {  	[smem:$0x3FB3] =	sst s8  }
0x11: {  	[smem:$0x3FB4] =	sst s9;
	s0 =	simm.s32 @!p0 $0x0  }
0x12: {  	s1 =	sld [smem:$0x3F9A];
	s0 =	simm.s32 @p0 $0x1  }
0x13: {  	[smem:$0x3FB5] =	sst s0;
	s0 =	simm.s32 @!p1 $0x0  }
0x14: {  	s2 =	sld [smem:$0x3F99];
	s0 =	simm.s32 @p1 $0x1  }
0x15: {  	[smem:$0x3FB6] =	sst s0;
	s0 =	simm.s32 @!p2 $0x0  }
0x16: {  	s3 =	sld [smem:$0x3FDB];
	s0 =	simm.s32 @p2 $0x1  }
0x17: {  	s4 =	simm.s32 $0x1BF5;
	[smem:$0x3FB8] =	sst s0  }
0x18: {  	s0 =	sld [smem:$0x3F9B];
	_ =	swait.ge [sflag:s4], $0x0  }
0x19: {  	s7 =	sld [smem:$0x3F9C]  }
0x1a: {  	s8 =	sadd.s32 $0xFFFFE003, lr  }
0x1b: {  	s9 =	sadd.s32 $0xFFFFFEF7, lr;
	s5 =	simm.s32 $0xFFFFFFFF;
	p2 =	slt.u32 s8, $0xFFFFF086  }
0x1c: {  	p1 =	slt.u32 s9, $0xF7A;
	s5 =	simm.s32 @!p2 $0x0  }
0x1d: {  	s5 =	simm.s32 @p1 $0x1;
	p0 =	seq.s32 s7, s2  }
0x1e: {  	s7 =	smul.u32 @!p0 $0xF7A, s2;
	p2 =	seq.s32 @!p0 s5, $0x0  }
0x1f: {  	s9 =	smul.u32 $0xF7A, s1;
	s8 =	simm.s32 @!p0 $0x1BF5;
	p2 =	por !p2, p0  }
0x20: {  	[sflag:s8] =	ssyncset.s32 @!p0 $0xFFFFF086;
	s6 =	sadd.s32 @!p0 s3, s7;
	s7 =	simm.s32 @!p0 $0x108  }
0x21: {  	s3 =	sadd.s32 s3, s9;
	s6 =	sadd.s32 @!p0 $0x88, s6;
	s7 =	simm.s32 @p2 $0x1082  }
0x22: {  	[simem:s7], [sflag:s8] =	dma.local @!p0 [hbm:s6], $0xF7A  }
0x23: {  	s9 =	sor.u32 $0xD0000000, s2;
	s6 =	simm.s32 $0x108;
	_ =	swait.ge @!p0 [sflag:s8], $0x0  }
0x24: {  	s3 =	sadd.s32 $0x88, s3;
	s6 =	simm.s32 @!p1 $0x1082;
	[sflag:s4] =	ssyncset.s32 $0xFFFFF086  }
0x25: {  	[simem:s6], [sflag:s4] =	dma.local [hbm:s3], $0xF7A  }
0x26: {  	[smem:$0x3F9C] =	sst s1;
	(tag) =	ssettag s2;
	_ =	strace s9  }
0x27: {  	s1 =	sld [smem:$0x3FAC]  }
0x28: {  	s2 =	sld [smem:$0x3FAD]  }
0x29: {  	s4 =	sld [smem:$0x3FAF]  }
0x2a: {  	p0 =	seq.s32 s5, $0x0;
	s5 =	sld [smem:$0x3FB0]  }
0x2b: {  	s6 =	sld [smem:$0x3FB1]  }
0x2c: {  	s7 =	sld [smem:$0x3FB2]  }
0x2d: {  	s3 =	simm.s32 $0x108;
	s8 =	sld [smem:$0x3FB3]  }
0x2e: {  	s3 =	simm.s32 @!p0 $0x1082;
	s9 =	sld [smem:$0x3FB4]  }
0x2f: {  	lr =	sadd.s32 s0, s3;
	s0 =	sld [smem:$0x3FAB]  }
0x30: {  	s3 =	sld [smem:$0x3FAE]  }
0x31: {  	[smem:$0x3FB7] =	sst s10  }
0x32: {  	s10 =	sld [smem:$0x3FB5];
	_ =	sdelay $0x3  }
0x33: {  	p0 =	seq.s32 s10, $0x1;
	s10 =	sld [smem:$0x3FB7];
	_ =	sdelay $0x3  }
0x34: {  	[smem:$0x3FB7] =	sst s10  }
0x35: {  	s10 =	sld [smem:$0x3FB6];
	_ =	sdelay $0x3  }
0x36: {  	p1 =	seq.s32 s10, $0x1;
	s10 =	sld [smem:$0x3FB7];
	_ =	sdelay $0x3  }
0x37: {  	[smem:$0x3FB7] =	sst s10  }
0x38: {  	s10 =	sld [smem:$0x3FB8]  }
0x39: {  	_ = 	snop;
	(pc) =	sbr.ind lr, $3  }
0x3a: {  	_ = 	snop  }
0x3b: {  	_ = 	snop  }
0x3c: {  	p2 =	seq.s32 s10, $0x1;
	s10 =	sld [smem:$0x3FB7]  }
0x3d: {  	_ =	shalt  }
0x3e: {  	_ =	shalt  }
0x3f: {  	_ =	shalt  }
0x40: {  	_ =	shalt  }
0x41: {  	_ =	shalt  }
0x42: {  	_ =	shalt  }
0x43: {  	_ =	shalt  }
0x44: {  	_ =	shalt  }
0x45: {  	_ =	shalt  }
0x46: {  	_ =	shalt  }
0x47: {  	_ =	shalt  }
0x48: {  	_ =	shalt  }
0x49: {  	_ =	shalt  }
0x4a: {  	_ =	shalt  }
0x4b: {  	_ =	shalt  }
0x4c: {  	_ =	shalt  }
0x4d: {  	_ =	shalt  }
0x4e: {  	_ =	shalt  }
0x4f: {  	_ =	shalt  }
0x50: {  	_ =	shalt  }
0x51: {  	_ =	shalt  }
0x52: {  	_ =	shalt  }
0x53: {  	_ =	shalt  }
0x54: {  	_ =	shalt  }
0x55: {  	_ =	shalt  }
0x56: {  	_ =	shalt  }
0x57: {  	_ =	shalt  }
0x58: {  	_ =	shalt  }
0x59: {  	_ =	shalt  }
0x5a: {  	_ =	shalt  }
0x5b: {  	_ =	shalt  }
0x5c: {  	_ =	shalt  }
0x5d: {  	_ =	shalt  }
0x5e: {  	_ =	shalt  }
0x5f: {  	_ =	shalt  }
0x60: {  	_ =	shalt  }
0x61: {  	_ =	shalt  }
0x62: {  	_ =	shalt  }
0x63: {  	_ =	shalt  }
0x64: {  	_ =	shalt  }
0x65: {  	_ =	shalt  }
0x66: {  	_ =	shalt  }
0x67: {  	_ =	shalt  }
0x68: {  	_ =	shalt  }
0x69: {  	_ =	shalt  }
0x6a: {  	_ =	shalt  }
0x6b: {  	_ =	shalt  }
0x6c: {  	_ =	shalt  }
0x6d: {  	_ =	shalt  }
0x6e: {  	_ =	shalt  }
0x6f: {  	_ =	shalt  }
0x70: {  	_ =	shalt  }
0x71: {  	_ =	shalt  }
0x72: {  	_ =	shalt  }
0x73: {  	_ =	shalt  }
0x74: {  	_ =	shalt  }
0x75: {  	_ =	shalt  }
0x76: {  	_ =	shalt  }
0x77: {  	_ =	shalt  }
0x78: {  	_ =	shalt  }
0x79: {  	_ =	shalt  }
0x7a: {  	_ =	shalt  }
0x7b: {  	_ =	shalt  }
0x7c: {  	_ =	shalt  }
0x7d: {  	_ =	shalt  }
0x7e: {  	_ =	shalt  }
0x7f: {  	_ =	shalt  }
0x80: {  	_ =	shalt  }
0x81: {  	_ =	shalt  }
0x82: {  	_ =	shalt  }
0x83: {  	_ =	shalt  }
0x84: {  	_ =	shalt  }
0x85: {  	_ =	shalt  }
0x86: {  	_ =	shalt  }
0x87: {  	_ =	shalt  }
.Lfunc_end0:
.L_simem_size_0:
called_computation_lowered:
.L_overlay_start_0:
0x88: {  	s2 =	sld [smem:$0x3FD9]  }
0x89: {  	s3 =	sld [smem:$0x3FFE];
	_ =	sdelay $0x1  }
0x8a: {  	s1 =	srdreg.scid  }
0x8b: {  	s0 =	sand.u32 $0x1, s1  }
0x8c: {  	s16 =	sshll.u32 s0, $0xA;
	s2 =	sadd.s32 s3, s2  }
0x8d: {  	s2 =	sadd.s32 s2, s16  }
0x8e: {  	[smem:$0x3FC3] =	sst s2  }
0x8f: {  	_ = 	snop  }
0x90: {  	(tm) =	ssettm $0x1  }
0x91: {  	s17 =	sld [smem:$0x3FFB];
	_ =	sdelay $0x3  }
0x92: {  	_ =	strace s17  }
0x93: {  	s2 =	sld [smem:$0x3FFC];
	_ =	sdelay $0x3  }
0x94: {  	_ =	strace s2  }
0x95: {  	s2 =	sld [smem:$0x3FFD];
	_ =	sdelay $0x3  }
0x96: {  	_ =	strace s2  }
0x97: {  	_ =	strace $0x8FFFFFFF  }
0x98: {  	s18 =	sld [smem:$0x3FDB];
	_ =	sdelay $0x1  }
0x99: {  	s19 =	simm.s32 $_scs_section_size  }
0x9a: {  	s4 =	simm.s32 $_size__tile_overlayer_lowered;
	s5 =	simm.s32 $_tile_overlayer_lowered  }
0x9b: {  	s22 =	simm.s32 $0x1BFF;
	s21 =	sshll.u32 s5, $0x1;
	s2 =	sadd.s32 s19, s18  }
0x9c: {  	s6 =	simm.s32 $0x0;
	s20 =	sshll.u32 s4, $0x1;
	s4 =	sadd.s32 s21, s2  }
0x9d: {  	[timem:s6], [sflag:s22] =	dma.local [hbm:s4], s20  }
0x9e: {  	_ =	swait.ge [sflag:s22], s20  }
0x9f: {  	s3 =	ssub.s32 $0x0, s20;
	[sflag:s22] =	ssyncset.done $0x0  }
0xa0: {  	[sflag:s22] =	ssyncadd.s32 s3;
	_ =	sdelay $0x1  }
0xa1: {  	s23 =	simm.s32 $0x1B8B  }
0xa2: {  	_ =	swait.ge [sflag:s23], $0x1  }
0xa3: {  	[sflag:s23] =	ssyncset.done $0x0  }
0xa4: {  	s25 =	simm.s32 $0x1B8E;
	s24 =	sld [smem:$0x3FFE];
	[sflag:s23] =	ssyncadd.s32 $0xFFFFFFFF  }
0xa5: {  	s26 =	simm.s32 $execute0_lowered;
	[smem:$0x3FD2] =	sst s25  }
0xa6: {  	s4 =	sshll.u32 s26, $0x1;
	_ =	strace $0x80000046;
	[dreg:$0x1] =	wrdreg $0xFFFFFFFF  }
0xa7: {  	s28 =	simm.s32 $_size_execute0_lowered;
	s2 =	sadd.s32 s2, s4;
	[dreg:$0x0] =	wrdreg $0x0  }
0xa8: {  	s4 =	sshll.u32 s28, $0x1;
	[dreg:$0x2] =	wrdreg s2  }
0xa9: {  	[dreg:$0x3] =	wrdreg s4  }
0xaa: {  	[dreg:$0x4] =	wrdreg $0xC0  }
0xab: {  	_ =	task [dreg:s6], $0x5FFFF  }
0xac: {  	[dreg:$0x1] =	wrdreg $0xFFFFFFFF  }
0xad: {  	[dreg:$0x0] =	wrdreg $0x60  }
0xae: {  	[dreg:$0x2] =	wrdreg s24  }
0xaf: {  	[dreg:$0x3] =	wrdreg $0x68000  }
0xb0: {  	[dreg:$0x4] =	wrdreg $0x9  }
0xb1: {  	_ =	task.clear_ibuf [dreg:s6], $0x5FFFF;
	_ =	strace $0x90000046  }
0xb2: {  	s29 =	simm.s32 $0x9;
	_ =	strace $0x80000048  }
0xb3: {  	_ =	swait.ge [sflag:s29], $0x1  }
0xb4: {  	[sflag:s29] =	ssyncadd.s32 $0xFFFFFFFF  }
0xb5: {  	_ =	strace $0x90000048  }
0xb6: {  	_ =	sfence  }
0xb7: {  	s30 =	sld [smem:$0x0];
	_ =	sdelay $0x2  }
0xb8: {  	s31 =	sshll.u32 s1, $0xD;
	s1 =	sshrl.u32 s1, $0x2  }
0xb9: {  	s3 =	sand.u32 $0x4000, s31;
	s1 =	sadd.s32 s1, s30  }
0xba: {  	s0 =	sor.u32 s3, s0;
	s1 =	sshll.u32 s1, $0x11  }
0xbb: {  	s0 =	sor.u32 s1, s0  }
0xbc: {  	s0 =	sadd.s32 $0x8F2B, s0  }
0xbd: {  	[sflag:s0] =	ssyncadd.remote.s32 $0x1  }
0xbe: {  	_ =	sfence.sel $0xFFFF  }
0xbf: {  	[dreg:$0x0] =	wrdreg $0xFFFFFFFF;
	(pc) =	sbr.abs _section_cstart, $3  }
0xc0: {  	[dreg:$0x1] =	wrdreg $0xFFFFFFFF  }
0xc1: {  	_ =	task.clear_ibuf [dreg:s6], $0x2FFFF;
	_ =	strace $0x9FFFFFFF  }
0xc2: {  	(tm) =	ssettm $0x7FFFFFFF  }
0xc3: {  	_ =	shalt  }
tec
execute0_lowered:
.L_overlay_start_1:
0x0: {  	(tag) =	ssettag $0x1  }
0x1: {  	s0 =	srdreg.scid;
	s1 =	rddreg [dreg:$0x0]  }
0x2: {  	s15 =	stileid.u32;
	s2 =	rddreg [dreg:$0x1]  }
0x3: {  	s28 =	simm.s32 $0x80;
	s29 =	simm.s32 $0x0;
	s11 =	smul.u32 $0x50000, s15  }
0x4: {  	s0 =	sand.u32 $0x1, s0;
	s5 =	sshll.u32 s15, $0x7;
	s20 =	smul.u32 $0x14000, s15  }
0x5: {  	s3 =	sshll.u32 s0, $0x4;
	s4 =	sshll.u32 s0, $0xB;
	s7 =	ssub.s32 $0x2, s0  }
0x6: {  	s0 =	smul.u32 $0x140000, s0;
	s3 =	sor.u32 s15, s3;
	s5 =	sor.u32 s5, s4  }
0x7: {  	s4 =	simm.s32 $0x0;
	p0 =	slt.u32 s3, $0x4;
	s3 =	simm.s32 $0x4F  }
0x8: {  	s8 =	sshrl.u32 s7, $0x1;
	s11 =	sshrl.u32 s11, $0x2;
	s3 =	simm.s32 @!p0 $0x4E  }
0x9: {  	s15 =	sadd.s32 $0x4000, s20;
	s5 =	sadd.s32 $0x4E200, s5;
	s6 =	smul.u32 $0x56, s3  }
0xa: {  	[smem:$0x7FF] =	sst s4;
	s14 =	ssub.s32 s7, s8;
	s24 =	sadd.s32 s0, s20  }
0xb: {  	s26 =	sadd.s32 s0, s15;
	s5 =	sshrl.u32 s5, $0x3;
	s16 =	sadd.s32 $0xFFFFFFAA, s6  }
0xc: {  	s9 =	sadd.s32 s5, s1;
	s10 =	sadd.s32 $0xFFFFFF54, s6;
	s5 =	sshrl.u32 s16, $0x8  }
0xd: {  	s6 =	sadd.s32 $0xFFFFFEFE, s6;
	s10 =	sshrl.u32 s10, $0x8;
	s5 =	smul.u32 $0x3, s5  }
0xe: {  	s15 =	sadd.s32 s15, s2;
	s6 =	sshrl.u32 s6, $0x8;
	s10 =	smul.u32 $0x3, s10  }
0xf: {  	_ =	strace $0x80000047;
	s21 =	smax.u32 s14, $0x1;
	s13 =	smul.u32 $0x3, s6  }
0x10: {  	s1 =	sadd.s32 $0x15600, s1;
	[dreg:$0x3] =	wrdreg s21;
	s5 =	sxor.u32 $0xFFFFFFFF, s5  }
0x11: {  	s18 =	ssub.s32 s3, s10;
	s19 =	ssub.s32 s3, s13;
	s10 =	sadd.s32 $0x10000, s20  }
0x12: {  	s12 =	sadd.s32 s3, s5;
	s5 =	sadd.s32 s11, s2;
	s7 =	sadd.s32 $0xFFFFFFFE, s18  }
0x13: {  	s8 =	sadd.s32 $0xFFFFFFFD, s19;
	s11 =	sshrl.u32 s24, $0x3;
	s18 =	sadd.s32 $0x8000, s20  }
0x14: {  	s19 =	sadd.s32 $0xC000, s20;
	s21 =	sadd.s32 s10, s2;
	s24 =	simm.s32 $0x2800  }
0x15: {  	s17 =	sand.u32 $0xFF, s12;
	s7 =	sand.u32 $0xFF, s7;
	s8 =	sand.u32 $0xFF, s8  }
0x16: {  	s22 =	sadd.s32 $0x4000, s5;
	s23 =	sadd.s32 $0x8000, s5;
	s25 =	sadd.s32 $0xC000, s5  }
0x17: {  	s13 =	sadd.s32 $0x10000, s5;
	s14 =	sadd.s32 s1, s11;
	s11 =	sshrl.u32 s26, $0x3  }
0x18: {  	s30 =	sadd.s32 s0, s18;
	s31 =	sadd.s32 s0, s19;
	s0 =	sadd.s32 s0, s10  }
0x19: {  	s19 =	sadd.s32 s19, s2;
	s26 =	simm.s32 $0x4;
	[dreg:$0x4] =	wrdreg s22  }
0x1a: {  	s6 =	sadd.s32 $0x1, s17;
	s7 =	sadd.s32 $0x1, s7;
	[dreg:$0x5] =	wrdreg s23  }
0x1b: {  	s8 =	sadd.s32 $0x1, s8;
	[dreg:$0x6] =	wrdreg s25;
	s16 =	sadd.s32 s1, s11  }
0x1c: {  	s17 =	sadd.s32 s18, s2;
	s11 =	sshrl.u32 s30, $0x3;
	s0 =	sshrl.u32 s0, $0x3  }
0x1d: {  	s23 =	sadd.s32 $0x1C00, s9;
	s18 =	sadd.s32 s1, s11;
	s11 =	sshrl.u32 s31, $0x3  }
0x1e: {  	v0 =	vimm.f32 $0.0e+00;
	v1 =	vimm.f32 $1.000000000e+00;
	s25 =	simm.s32 $0x5;
	s22 =	sadd.s32 s1, s0;
	s20 =	sadd.s32 s1, s11  }
.LBB2_1:
0x1f: {  	p0 =	seq.s32 s3, $0x1  }
.Ltmp0:
0x20: {  	_ = 	snop;
	(pc) =	sbr.rel @p0 .LBB2_3-.Ltmp0, $3  }
0x21: {  	_ =	sdelay $0x1  }
0x22: {  	s0 =	sadd.s32 $0xFFFFFFFF, s3;
	s1 =	simm.s32 $0x80  }
0x23: {  	s9 =	sadd.s32 $0x200, s23;
	s10 =	smov.u32 s4;
	s11 =	smov.u32 s23  }
.LBB2_2:
0x24: {  	[tilespmem:s10], [sflag:$0x4] =	stream.linear.gather [hbm4b:s11+s4], $0x80, $0x38;
	[tilespmem:$0x9000] =	vst v63  }
0x25: {  	p0 =	seq.s32 s0, $0x1  }
.Ltmp1:
0x26: {  	s0 =	sadd.s32 $0xFFFFFFFF, s0;
	(pc) =	sbr.rel @!p0 .LBB2_2-.Ltmp1, $2  }
0x27: {  	s10 =	smov.u32 s1;
	s11 =	smov.u32 s9;
	_ =	sdelay $0x2  }
0x28: {  	s1 =	sadd.s32 $0x80, s1;
	s9 =	sadd.s32 $0x200, s9  }
.LBB2_3:
0x29: {  	p0 =	seq.s32 s4, $0xFE00  }
.Ltmp2:
0x2a: {  	_ = 	snop;
	(pc) =	sbr.rel @p0 .LBB2_5-.Ltmp2, $3  }
0x2b: {  	_ =	sdelay $0x1  }
0x2c: {  	[tilespmem:s10], [sflag:$0x4] =	stream.linear.gather [hbm4b:s11+s4], $0x80, $0x38;
	[tilespmem:$0x9000] =	vst v63  }
0x2d: {  	s0 =	sadd.s32 $0x200, s4;
	s1 =	sshra.s32 s4, $0x2  }
.LBB2_4:
0x2e: {  	p0 =	seq.s32 s0, $0xFE00;
	[tilespmem:s1+$0x2800] =	vst v0;
	s1 =	smov.u32 s0;
	s0 =	sadd.s32 $0x200, s0  }
.Ltmp3:
0x2f: {  	(pc) =	sbr.rel @!p0 .LBB2_4-.Ltmp3, $2  }
0x30: {  	_ =	sdelay $0x2  }
0x31: {  	s1 =	sshra.s32 s1, $0x2  }
.LBB2_5:
0x32: {  	[tilespmem:s1+$0x2800] =	vst v0  }
0x33: {  	[spmem:s5] =	stream.linear.scatter [tilespmem:s24], [sflag:$0x5], $0x4000, $0x38;
	[tilespmem:$0x9000] =	vst v63  }
0x34: {  	_ =	swait.ge [sflag:s25], $0x4000  }
0x35: {  	[sflag:s25] =	ssyncset.done $0x0  }
0x36: {  	s0 =	rddreg [dreg:$0x4];
	[sflag:s25] =	ssyncadd.s32 $0xFFFFC000  }
0x37: {  	[spmem:s0] =	stream.linear.scatter [tilespmem:s24], [sflag:$0x5], $0x4000, $0x38;
	[tilespmem:$0x9000] =	vst v63  }
0x38: {  	_ =	swait.ge [sflag:s25], $0x4000  }
0x39: {  	[sflag:s25] =	ssyncset.done $0x0  }
0x3a: {  	s30 =	rddreg [dreg:$0x5];
	[sflag:s25] =	ssyncadd.s32 $0xFFFFC000  }
0x3b: {  	[spmem:s30] =	stream.linear.scatter [tilespmem:s24], [sflag:$0x5], $0x4000, $0x38;
	[tilespmem:$0x9000] =	vst v63  }
0x3c: {  	_ =	swait.ge [sflag:s25], $0x4000  }
0x3d: {  	[sflag:s25] =	ssyncset.done $0x0  }
0x3e: {  	s31 =	rddreg [dreg:$0x6];
	[sflag:s25] =	ssyncadd.s32 $0xFFFFC000  }
0x3f: {  	[spmem:s31] =	stream.linear.scatter [tilespmem:s24], [sflag:$0x5], $0x4000, $0x38;
	[tilespmem:$0x9000] =	vst v63  }
0x40: {  	_ =	swait.ge [sflag:s25], $0x4000  }
0x41: {  	[sflag:s25] =	ssyncset.done $0x0  }
0x42: {  	[sflag:s25] =	ssyncadd.s32 $0xFFFFC000  }
0x43: {  	[spmem:s13] =	stream.linear.scatter [tilespmem:s24], [sflag:$0x5], $0x4000, $0x38;
	[tilespmem:$0x9000] =	vst v63  }
0x44: {  	_ =	swait.ge [sflag:s25], $0x4000  }
0x45: {  	[sflag:s25] =	ssyncset.done $0x0  }
0x46: {  	s1 =	simm.s32 $0x0;
	s0 =	simm.s32 $0x200;
	[sflag:s25] =	ssyncadd.s32 $0xFFFFC000  }
.LBB2_6:
0x47: {  	p0 =	sne.s32 s0, $0xFE00;
	[tilespmem:s1+$0x2800] =	vst v1;
	s1 =	smov.u32 s0;
	s0 =	sadd.s32 $0x200, s0  }
.Ltmp4:
0x48: {  	(pc) =	sbr.rel @p0 .LBB2_6-.Ltmp4, $2  }
0x49: {  	_ =	sdelay $0x2  }
0x4a: {  	s1 =	sshra.s32 s1, $0x2  }
0x4b: {  	p0 =	sne.s32 s3, $0x1  }
.Ltmp5:
0x4c: {  	_ = 	snop;
	(pc) =	sbr.rel @!p0 .LBB2_9-.Ltmp5, $4  }
0x4d: {  	_ = 	snop  }
0x4e: {  	[tilespmem:s1+$0x2800] =	vst v1  }
0x4f: {  	_ =	swait.ge [sflag:s26], $0x80  }
0x50: {  	s0 =	sadd.s32 $0xFFFFFFFF, s3;
	[sflag:s26] =	ssyncset.done $0x0  }
.LBB2_8:
0x51: {  	p0 =	sne.s32 s0, $0x1;
	s0 =	sadd.s32 $0xFFFFFFFF, s0;
	[sflag:s26] =	ssyncadd.s32 $0xFFFFFF80  }
.Ltmp6:
0x52: {  	(pc) =	sbr.rel @p0 .LBB2_8-.Ltmp6, $3  }
0x53: {  	_ =	sdelay $0x1  }
0x54: {  	_ =	swait.ge [sflag:s26], $0x80  }
0x55: {  	[sflag:s26] =	ssyncset.done $0x0  }
.LBB2_9:
0x56: {  	p1 =	sne.s32 s3, $0x1  }
.Ltmp7:
0x57: {  	s11 =	simm.s32 $0x0;
	(pc) =	sbr.rel @!p1 .LBB2_10-.Ltmp7, $4  }
0x58: {  	s0 =	smulhi.u32 $0xAAAAAAAB, s11  }
0x59: {  	[sflag:s26] =	ssyncadd.s32 $0xFFFFFF80  }
0x5a: {  	s1 =	simm.s32 $0x1;
	[bflag:$0x0] =	sbarrier.arrive $0xFFFF;
	s0 =	sshrl.u32 s0, $0x1  }
0x5b: {  	s31 =	simm.s32 $0x1;
	p0 =	por $0x0, $0x0;
	s10 =	smul.u32 $0xFFFFFFF4, s0  }
0x5c: {  	p1 =	sne.s32 s3, $0x2  }
.Ltmp8:
0x5d: {  	s0 =	sshra.s32 s10, $0x2;
	(pc) =	sbr.rel @!p1 .LBB2_12-.Ltmp8, $4  }
0x5e: {  	s1 =	smulhi.u32 $0xAAAAAAAB, s31;
	p0 =	por $0x1, $0x1;
	s0 =	sadd.s32 $0x1, s0  }
0x5f: {  	s9 =	simm.s32 $0x2;
	s30 =	simm.s32 $0x80;
	_ =	swait.ge @!p0 [sflag:s0], $0x800  }
0x60: {  	s12 =	sshrl.u32 s1, $0x1;
	s1 =	simm.s32 $0x2;
	[sflag:s0] =	ssyncset.done @!p0 $0x0  }
0x61: {  	s10 =	smul.u32 $0xFFFFFFF4, s12;
	[sflag:s0] =	ssyncadd.s32 @!p0 $0xFFFFF800;
	p0 =	por $0x1, $0x1  }
.LBB2_13:
0x62: {  	[spmem:s2] =	stream.indirect.scatter.add.f32 [tilespmem:s24], [sflag:s0], $0x10, s11, s28, $0xb8;
	[tilespmem:$0x9000] =	vst v63  }
0x63: {  	s12 =	smov.u32 s9;
	s9 =	sadd.s32 $0x1, s9  }
0x64: {  	s11 =	smov.u32 s30;
	p2 =	sne.s32 s3, s9  }
.Ltmp9:
0x65: {  	s0 =	sshra.s32 s10, $0x2;
	(pc) =	sbr.rel @p2 .LBB2_13-.Ltmp9, $4  }
0x66: {  	p1 =	slt.u32 s31, $0x3;
	s10 =	smulhi.u32 $0xAAAAAAAB, s12;
	s0 =	sadd.s32 s0, s1  }
0x67: {  	s31 =	smov.u32 s12;
	_ =	swait.ge @!p1 [sflag:s0], $0x800  }
0x68: {  	s1 =	sadd.s32 $0x1, s1;
	s10 =	sshrl.u32 s10, $0x1;
	[sflag:s0] =	ssyncset.done @!p1 $0x0  }
0x69: {  	s30 =	sadd.s32 $0x80, s30;
	s10 =	smul.u32 $0xFFFFFFF4, s10;
	[sflag:s0] =	ssyncadd.s32 @!p1 $0xFFFFF800  }
0x6a: {  	s9 =	smov.u32 s11;
	s11 =	smov.u32 s30  }
.LBB2_15:
0x6b: {  	[spmem:s2] =	stream.indirect.scatter.add.f32 @p0 [tilespmem:s24], [sflag:s0], $0x10, s9, s28, $0xb8;
	[tilespmem:$0x9000] =	vst v63  }
0x6c: {  	s30 =	sshra.s32 s10, $0x2  }
0x6d: {  	p0 =	slt.u32 s31, $0x3;
	s0 =	sadd.s32 s30, s1  }
0x6e: {  	_ =	swait.ge @!p0 [sflag:s0], $0x800  }
0x6f: {  	[sflag:s0] =	ssyncset.done @!p0 $0x0  }
0x70: {  	[sflag:s0] =	ssyncadd.s32 @!p0 $0xFFFFF800  }
0x71: {  	[spmem:s2] =	stream.indirect.scatter.add.f32 [tilespmem:s24], [sflag:s0], $0x10, s11, s28, $0xb8;
	[tilespmem:$0x9000] =	vst v63  }
0x72: {  	_ =	swait.ge [sflag:s6], $0x800  }
0x73: {  	[sflag:s6] =	ssyncset.done $0x0  }
0x74: {  	[sflag:s6] =	ssyncadd.s32 $0xFFFFF800  }
0x75: {  	_ =	swait.ge [sflag:s7], $0x800  }
0x76: {  	[sflag:s7] =	ssyncset.done $0x0  }
0x77: {  	[sflag:s7] =	ssyncadd.s32 $0xFFFFF800  }
0x78: {  	_ =	swait.ge [sflag:s8], $0x800  }
0x79: {  	[sflag:s8] =	ssyncset.done $0x0  }
0x7a: {  	[sflag:s8] =	ssyncadd.s32 $0xFFFFF800  }
0x7b: {  	[bflag:$0x0] =	sbarrier.arrive $0xFFFF  }
0x7c: {  	[tilespmem:s24], [sflag:$0x5] =	stream.linear.gather [spmem:s5], $0x4000, $0x38;
	[tilespmem:$0x9000] =	vst v63  }
0x7d: {  	_ =	swait.ge [sflag:s25], $0x4000  }
0x7e: {  	[sflag:s25] =	ssyncset.done $0x0  }
0x7f: {  	[sflag:s25] =	ssyncadd.s32 $0xFFFFC000  }
0x80: {  	[hbm4b:s14+s4] =	stream.linear.scatter [tilespmem:s24], [sflag:$0x5], $0x4000, $0x38;
	[tilespmem:$0x9000] =	vst v63  }
0x81: {  	_ =	swait.ge [sflag:s25], $0x4000  }
0x82: {  	[sflag:s25] =	ssyncset.done $0x0  }
0x83: {  	[sflag:s25] =	ssyncadd.s32 $0xFFFFC000  }
0x84: {  	[tilespmem:s24], [sflag:$0x5] =	stream.linear.gather [spmem:s15], $0x4000, $0x38;
	[tilespmem:$0x9000] =	vst v63  }
0x85: {  	_ =	swait.ge [sflag:s25], $0x4000  }
0x86: {  	[sflag:s25] =	ssyncset.done $0x0  }
0x87: {  	[sflag:s25] =	ssyncadd.s32 $0xFFFFC000  }
0x88: {  	[hbm4b:s16+s4] =	stream.linear.scatter [tilespmem:s24], [sflag:$0x5], $0x4000, $0x38;
	[tilespmem:$0x9000] =	vst v63  }
0x89: {  	_ =	swait.ge [sflag:s25], $0x4000  }
0x8a: {  	[sflag:s25] =	ssyncset.done $0x0  }
0x8b: {  	[sflag:s25] =	ssyncadd.s32 $0xFFFFC000  }
0x8c: {  	[tilespmem:s24], [sflag:$0x5] =	stream.linear.gather [spmem:s17], $0x4000, $0x38;
	[tilespmem:$0x9000] =	vst v63  }
0x8d: {  	_ =	swait.ge [sflag:s25], $0x4000  }
0x8e: {  	[sflag:s25] =	ssyncset.done $0x0  }
0x8f: {  	[sflag:s25] =	ssyncadd.s32 $0xFFFFC000  }
0x90: {  	[hbm4b:s18+s4] =	stream.linear.scatter [tilespmem:s24], [sflag:$0x5], $0x4000, $0x38;
	[tilespmem:$0x9000] =	vst v63  }
0x91: {  	_ =	swait.ge [sflag:s25], $0x4000  }
0x92: {  	[sflag:s25] =	ssyncset.done $0x0  }
0x93: {  	[sflag:s25] =	ssyncadd.s32 $0xFFFFC000  }
0x94: {  	[tilespmem:s24], [sflag:$0x5] =	stream.linear.gather [spmem:s19], $0x4000, $0x38;
	[tilespmem:$0x9000] =	vst v63  }
0x95: {  	_ =	swait.ge [sflag:s25], $0x4000  }
0x96: {  	[sflag:s25] =	ssyncset.done $0x0  }
0x97: {  	[sflag:s25] =	ssyncadd.s32 $0xFFFFC000  }
0x98: {  	[hbm4b:s20+s4] =	stream.linear.scatter [tilespmem:s24], [sflag:$0x5], $0x4000, $0x38;
	[tilespmem:$0x9000] =	vst v63  }
0x99: {  	_ =	swait.ge [sflag:s25], $0x4000  }
0x9a: {  	[sflag:s25] =	ssyncset.done $0x0  }
0x9b: {  	[sflag:s25] =	ssyncadd.s32 $0xFFFFC000  }
0x9c: {  	[tilespmem:s24], [sflag:$0x5] =	stream.linear.gather [spmem:s21], $0x4000, $0x38;
	[tilespmem:$0x9000] =	vst v63  }
0x9d: {  	_ =	swait.ge [sflag:s25], $0x4000  }
0x9e: {  	[sflag:s25] =	ssyncset.done $0x0  }
0x9f: {  	[sflag:s25] =	ssyncadd.s32 $0xFFFFC000  }
0xa0: {  	[hbm4b:s22+s4] =	stream.linear.scatter [tilespmem:s24], [sflag:$0x5], $0x4000, $0x38;
	[tilespmem:$0x9000] =	vst v63  }
0xa1: {  	_ =	swait.ge [sflag:s25], $0x4000  }
0xa2: {  	s29 =	sadd.s32 $0x1, s29;
	s31 =	rddreg [dreg:$0x3]  }
0xa3: {  	p0 =	sne.s32 s29, s31  }
.Ltmp10:
0xa4: {  	_ = 	snop;
	(pc) =	sbr.rel @p0 .LBB2_1-.Ltmp10, $4  }
.Ltmp11:
0xa5: {  	_ = 	snop;
	(pc) =	sbr.rel @!p0 .LBB2_16-.Ltmp11, $4  }
0xa6: {  	_ = 	snop  }
0xa7: {  	[sflag:s25] =	ssyncset.done $0x0  }
0xa8: {  	[sflag:s25] =	ssyncadd.s32 $0xFFFFC000  }
0xa9: {  	_ = 	snop  }
.LBB2_10:
.Ltmp12:
0xaa: {  	(pc) =	sbr.rel .LBB2_15-.Ltmp12, $2  }
0xab: {  	_ =	sdelay $0x2  }
0xac: {  	s31 =	simm.s32 $0x0  }
.LBB2_12:
.Ltmp13:
0xad: {  	(pc) =	sbr.rel .LBB2_15-.Ltmp13, $2  }
0xae: {  	_ =	sdelay $0x2  }
0xaf: {  	s9 =	simm.s32 $0x0;
	s11 =	simm.s32 $0x80  }
.LBB2_16:
0xb0: {  	_ =	sfence.sel $0x180000  }
0xb1: {  	[bflag:$0x0] =	sbarrier.arrive $0xFFFF  }
0xb2: {  	_ =	strace $0x90000047  }
0xb3: {  	s0 =	stileid.u32;
	[bflag:$0x2] =	sbarrier.arrive $0xFFFF  }
0xb4: {  	p0 =	sne.s32 s0, $0x0;
	s0 =	rddreg [dreg:$0x2]  }
0xb5: {  	s0 =	sadd.s32 @!p0 $0x100000, s0  }
0xb6: {  	[sflag:s0] =	ssyncadd.tile.s32 @!p0 $0x1;
	_ =	shalt  }
.Lfunc_end2:
_tile_overlayer_lowered:
.L_overlay_start_2:
0xb7: {  	(tag) =	ssettag $0x2  }
0xb8: {  	s0 =	rddreg [dreg:$0x0];
	s2 =	stileid.u32  }
0xb9: {  	s1 =	rddreg [dreg:$0x1];
	p0 =	sne.s32 s2, $0x0  }
0xba: {  	s3 =	rddreg [dreg:$0x2];
	[bflag:$0x3] =	sbarrier.arrive $0xFFFF;
	s2 =	simm.s32 @!p0 $0x1C05  }
0xbb: {  	[timem:s3], [sflag:s2] =	dma.local @!p0 [hbm:s0], s1  }
0xbc: {  	s0 =	simm.s32 @!p0 $0x5  }
0xbd: {  	_ =	swait.ge @!p0 [sflag:s0], s1  }
0xbe: {  	s1 =	ssub.s32 @!p0 $0x0, s1;
	[sflag:s0] =	ssyncset.done @!p0 $0x0  }
0xbf: {  	[sflag:s0] =	ssyncadd.s32 @!p0 s1  }
0xc0: {  	[bflag:$0x3] =	sbarrier.arrive $0xFFFF  }
0xc1: {  	_ =	shalt  }

// kernel: kernel.9.cloned.1.call-start
scs
__scs_entry_jumppad:
0x0: {  	(pc) =	sbr.rel $0x88, $3  }
0x1: {  	(tag) =	ssettag $0x0;
	lr =	simm.s32 $0x1  }
0x2: {  	[smem:$0x3F9C] =	sst lr;
	_ =	strace $0xD0000000  }
0x3: {  	_ = 	snop  }
0x4: {  	_ = 	snop  }
0x5: {  	_ = 	snop  }
0x6: {  	_ = 	snop  }
0x7: {  	_ = 	snop  }
__scs_overlays_trampoline_lowered:
0x8: {  	[smem:$0x3FAB] =	sst s0  }
0x9: {  	[smem:$0x3FAC] =	sst s1  }
0xa: {  	[smem:$0x3FAD] =	sst s2  }
0xb: {  	[smem:$0x3FAE] =	sst s3  }
0xc: {  	[smem:$0x3FAF] =	sst s4  }
0xd: {  	[smem:$0x3FB0] =	sst s5  }
0xe: {  	[smem:$0x3FB1] =	sst s6  }
0xf: {  	[smem:$0x3FB2] =	sst s7  }
0x10: {  	[smem:$0x3FB3] =	sst s8  }
0x11: {  	[smem:$0x3FB4] =	sst s9;
	s0 =	simm.s32 @!p0 $0x0  }
0x12: {  	s1 =	sld [smem:$0x3F9A];
	s0 =	simm.s32 @p0 $0x1  }
0x13: {  	[smem:$0x3FB5] =	sst s0;
	s0 =	simm.s32 @!p1 $0x0  }
0x14: {  	s2 =	sld [smem:$0x3F99];
	s0 =	simm.s32 @p1 $0x1  }
0x15: {  	[smem:$0x3FB6] =	sst s0;
	s0 =	simm.s32 @!p2 $0x0  }
0x16: {  	s3 =	sld [smem:$0x3FDB];
	s0 =	simm.s32 @p2 $0x1  }
0x17: {  	s4 =	simm.s32 $0x1BF5;
	[smem:$0x3FB8] =	sst s0  }
0x18: {  	s0 =	sld [smem:$0x3F9B];
	_ =	swait.ge [sflag:s4], $0x0  }
0x19: {  	s7 =	sld [smem:$0x3F9C]  }
0x1a: {  	s8 =	sadd.s32 $0xFFFFE003, lr  }
0x1b: {  	s9 =	sadd.s32 $0xFFFFFEF7, lr;
	s5 =	simm.s32 $0xFFFFFFFF;
	p2 =	slt.u32 s8, $0xFFFFF086  }
0x1c: {  	p1 =	slt.u32 s9, $0xF7A;
	s5 =	simm.s32 @!p2 $0x0  }
0x1d: {  	s5 =	simm.s32 @p1 $0x1;
	p0 =	seq.s32 s7, s2  }
0x1e: {  	s7 =	smul.u32 @!p0 $0xF7A, s2;
	p2 =	seq.s32 @!p0 s5, $0x0  }
0x1f: {  	s9 =	smul.u32 $0xF7A, s1;
	s8 =	simm.s32 @!p0 $0x1BF5;
	p2 =	por !p2, p0  }
0x20: {  	[sflag:s8] =	ssyncset.s32 @!p0 $0xFFFFF086;
	s6 =	sadd.s32 @!p0 s3, s7;
	s7 =	simm.s32 @!p0 $0x108  }
0x21: {  	s3 =	sadd.s32 s3, s9;
	s6 =	sadd.s32 @!p0 $0x88, s6;
	s7 =	simm.s32 @p2 $0x1082  }
0x22: {  	[simem:s7], [sflag:s8] =	dma.local @!p0 [hbm:s6], $0xF7A  }
0x23: {  	s9 =	sor.u32 $0xD0000000, s2;
	s6 =	simm.s32 $0x108;
	_ =	swait.ge @!p0 [sflag:s8], $0x0  }
0x24: {  	s3 =	sadd.s32 $0x88, s3;
	s6 =	simm.s32 @!p1 $0x1082;
	[sflag:s4] =	ssyncset.s32 $0xFFFFF086  }
0x25: {  	[simem:s6], [sflag:s4] =	dma.local [hbm:s3], $0xF7A  }
0x26: {  	[smem:$0x3F9C] =	sst s1;
	(tag) =	ssettag s2;
	_ =	strace s9  }
0x27: {  	s1 =	sld [smem:$0x3FAC]  }
0x28: {  	s2 =	sld [smem:$0x3FAD]  }
0x29: {  	s4 =	sld [smem:$0x3FAF]  }
0x2a: {  	p0 =	seq.s32 s5, $0x0;
	s5 =	sld [smem:$0x3FB0]  }
0x2b: {  	s6 =	sld [smem:$0x3FB1]  }
0x2c: {  	s7 =	sld [smem:$0x3FB2]  }
0x2d: {  	s3 =	simm.s32 $0x108;
	s8 =	sld [smem:$0x3FB3]  }
0x2e: {  	s3 =	simm.s32 @!p0 $0x1082;
	s9 =	sld [smem:$0x3FB4]  }
0x2f: {  	lr =	sadd.s32 s0, s3;
	s0 =	sld [smem:$0x3FAB]  }
0x30: {  	s3 =	sld [smem:$0x3FAE]  }
0x31: {  	[smem:$0x3FB7] =	sst s10  }
0x32: {  	s10 =	sld [smem:$0x3FB5];
	_ =	sdelay $0x3  }
0x33: {  	p0 =	seq.s32 s10, $0x1;
	s10 =	sld [smem:$0x3FB7];
	_ =	sdelay $0x3  }
0x34: {  	[smem:$0x3FB7] =	sst s10  }
0x35: {  	s10 =	sld [smem:$0x3FB6];
	_ =	sdelay $0x3  }
0x36: {  	p1 =	seq.s32 s10, $0x1;
	s10 =	sld [smem:$0x3FB7];
	_ =	sdelay $0x3  }
0x37: {  	[smem:$0x3FB7] =	sst s10  }
0x38: {  	s10 =	sld [smem:$0x3FB8]  }
0x39: {  	_ = 	snop;
	(pc) =	sbr.ind lr, $3  }
0x3a: {  	_ = 	snop  }
0x3b: {  	_ = 	snop  }
0x3c: {  	p2 =	seq.s32 s10, $0x1;
	s10 =	sld [smem:$0x3FB7]  }
0x3d: {  	_ =	shalt  }
0x3e: {  	_ =	shalt  }
0x3f: {  	_ =	shalt  }
0x40: {  	_ =	shalt  }
0x41: {  	_ =	shalt  }
0x42: {  	_ =	shalt  }
0x43: {  	_ =	shalt  }
0x44: {  	_ =	shalt  }
0x45: {  	_ =	shalt  }
0x46: {  	_ =	shalt  }
0x47: {  	_ =	shalt  }
0x48: {  	_ =	shalt  }
0x49: {  	_ =	shalt  }
0x4a: {  	_ =	shalt  }
0x4b: {  	_ =	shalt  }
0x4c: {  	_ =	shalt  }
0x4d: {  	_ =	shalt  }
0x4e: {  	_ =	shalt  }
0x4f: {  	_ =	shalt  }
0x50: {  	_ =	shalt  }
0x51: {  	_ =	shalt  }
0x52: {  	_ =	shalt  }
0x53: {  	_ =	shalt  }
0x54: {  	_ =	shalt  }
0x55: {  	_ =	shalt  }
0x56: {  	_ =	shalt  }
0x57: {  	_ =	shalt  }
0x58: {  	_ =	shalt  }
0x59: {  	_ =	shalt  }
0x5a: {  	_ =	shalt  }
0x5b: {  	_ =	shalt  }
0x5c: {  	_ =	shalt  }
0x5d: {  	_ =	shalt  }
0x5e: {  	_ =	shalt  }
0x5f: {  	_ =	shalt  }
0x60: {  	_ =	shalt  }
0x61: {  	_ =	shalt  }
0x62: {  	_ =	shalt  }
0x63: {  	_ =	shalt  }
0x64: {  	_ =	shalt  }
0x65: {  	_ =	shalt  }
0x66: {  	_ =	shalt  }
0x67: {  	_ =	shalt  }
0x68: {  	_ =	shalt  }
0x69: {  	_ =	shalt  }
0x6a: {  	_ =	shalt  }
0x6b: {  	_ =	shalt  }
0x6c: {  	_ =	shalt  }
0x6d: {  	_ =	shalt  }
0x6e: {  	_ =	shalt  }
0x6f: {  	_ =	shalt  }
0x70: {  	_ =	shalt  }
0x71: {  	_ =	shalt  }
0x72: {  	_ =	shalt  }
0x73: {  	_ =	shalt  }
0x74: {  	_ =	shalt  }
0x75: {  	_ =	shalt  }
0x76: {  	_ =	shalt  }
0x77: {  	_ =	shalt  }
0x78: {  	_ =	shalt  }
0x79: {  	_ =	shalt  }
0x7a: {  	_ =	shalt  }
0x7b: {  	_ =	shalt  }
0x7c: {  	_ =	shalt  }
0x7d: {  	_ =	shalt  }
0x7e: {  	_ =	shalt  }
0x7f: {  	_ =	shalt  }
0x80: {  	_ =	shalt  }
0x81: {  	_ =	shalt  }
0x82: {  	_ =	shalt  }
0x83: {  	_ =	shalt  }
0x84: {  	_ =	shalt  }
0x85: {  	_ =	shalt  }
0x86: {  	_ =	shalt  }
0x87: {  	_ =	shalt  }
.Lfunc_end0:
.L_simem_size_0:
called_computation.1_lowered:
.L_overlay_start_0:
0x88: {  	s2 =	sld [smem:$0x3FD9]  }
0x89: {  	s3 =	sld [smem:$0x3FFE];
	_ =	sdelay $0x1  }
0x8a: {  	s1 =	srdreg.scid  }
0x8b: {  	s0 =	sand.u32 $0x1, s1  }
0x8c: {  	s17 =	sshll.u32 s0, $0xA;
	s2 =	sadd.s32 s3, s2  }
0x8d: {  	s2 =	sadd.s32 s2, s17  }
0x8e: {  	[smem:$0x3FC3] =	sst s2  }
0x8f: {  	_ = 	snop  }
0x90: {  	s2 =	sld [smem:$0x3FD0];
	(tm) =	ssettm $0x1  }
0x91: {  	s18 =	sld [smem:$0x3FFB];
	_ =	sdelay $0x3  }
0x92: {  	_ =	strace s18  }
0x93: {  	s3 =	sld [smem:$0x3FFC];
	_ =	sdelay $0x3  }
0x94: {  	_ =	strace s3  }
0x95: {  	s3 =	sld [smem:$0x3FFD];
	_ =	sdelay $0x3  }
0x96: {  	_ =	strace s3  }
0x97: {  	_ =	strace $0x8FFFFFFF  }
0x98: {  	s19 =	sld [smem:$0x3FDB];
	_ =	sdelay $0x1  }
0x99: {  	s4 =	simm.s32 $_scs_section_size  }
0x9a: {  	s5 =	simm.s32 $_size__tile_overlayer_lowered;
	s6 =	simm.s32 $_tile_overlayer_lowered  }
0x9b: {  	s22 =	simm.s32 $0x1BFF;
	s21 =	sshll.u32 s6, $0x1;
	s3 =	sadd.s32 s4, s19  }
0x9c: {  	s7 =	simm.s32 $0x0;
	s20 =	sshll.u32 s5, $0x1;
	s5 =	sadd.s32 s21, s3  }
0x9d: {  	[timem:s7], [sflag:s22] =	dma.local [hbm:s5], s20  }
0x9e: {  	_ =	swait.ge [sflag:s22], s20  }
0x9f: {  	s4 =	ssub.s32 $0x0, s20;
	[sflag:s22] =	ssyncset.done $0x0  }
0xa0: {  	[sflag:s22] =	ssyncadd.s32 s4;
	_ =	sdelay $0x1  }
0xa1: {  	s23 =	simm.s32 $0x1B8B  }
0xa2: {  	_ =	swait.ge [sflag:s23], $0x1  }
0xa3: {  	[sflag:s23] =	ssyncset.done $0x0  }
0xa4: {  	s25 =	simm.s32 $0x1B8E;
	s24 =	sld [smem:$0x3FFE];
	[sflag:s23] =	ssyncadd.s32 $0xFFFFFFFF  }
0xa5: {  	s26 =	simm.s32 $execute0_lowered;
	[smem:$0x3FD2] =	sst s25  }
0xa6: {  	s5 =	sshll.u32 s26, $0x1;
	_ =	strace $0x80000049;
	[dreg:$0x1] =	wrdreg $0xFFFFFFFF  }
0xa7: {  	s28 =	simm.s32 $_size_execute0_lowered;
	s3 =	sadd.s32 s3, s5;
	[dreg:$0x0] =	wrdreg $0x0  }
0xa8: {  	s5 =	sshll.u32 s28, $0x1;
	[dreg:$0x2] =	wrdreg s3  }
0xa9: {  	[dreg:$0x3] =	wrdreg s5  }
0xaa: {  	[dreg:$0x4] =	wrdreg $0xC0  }
0xab: {  	_ =	task [dreg:s7], $0x5FFFF  }
0xac: {  	[dreg:$0x1] =	wrdreg $0xFFFFFFFF  }
0xad: {  	[dreg:$0x0] =	wrdreg $0x60  }
0xae: {  	[dreg:$0x2] =	wrdreg s2  }
0xaf: {  	[dreg:$0x3] =	wrdreg s24  }
0xb0: {  	[dreg:$0x4] =	wrdreg $0x84000  }
0xb1: {  	[dreg:$0x5] =	wrdreg $0x9  }
0xb2: {  	_ =	task.clear_ibuf [dreg:s7], $0x6FFFF;
	_ =	strace $0x90000049  }
0xb3: {  	s29 =	simm.s32 $0x9;
	_ =	strace $0x8000004B  }
0xb4: {  	_ =	swait.ge [sflag:s29], $0x1  }
0xb5: {  	[sflag:s29] =	ssyncadd.s32 $0xFFFFFFFF  }
0xb6: {  	_ =	strace $0x9000004B  }
0xb7: {  	_ =	sfence  }
0xb8: {  	s30 =	sld [smem:$0x0];
	_ =	sdelay $0x2  }
0xb9: {  	s31 =	sshll.u32 s1, $0xD;
	s1 =	sshrl.u32 s1, $0x2  }
0xba: {  	s3 =	sand.u32 $0x4000, s31;
	s1 =	sadd.s32 s1, s30  }
0xbb: {  	s0 =	sor.u32 s3, s0;
	s1 =	sshll.u32 s1, $0x11  }
0xbc: {  	s0 =	sor.u32 s1, s0  }
0xbd: {  	s0 =	sadd.s32 $0x8F2B, s0  }
0xbe: {  	[sflag:s0] =	ssyncadd.remote.s32 $0x1  }
0xbf: {  	_ =	sfence.sel $0xFFFF  }
0xc0: {  	[dreg:$0x0] =	wrdreg $0xFFFFFFFF;
	(pc) =	sbr.abs _section_cstart, $3  }
0xc1: {  	[dreg:$0x1] =	wrdreg $0xFFFFFFFF  }
0xc2: {  	_ =	task.clear_ibuf [dreg:s7], $0x2FFFF;
	_ =	strace $0x9FFFFFFF  }
0xc3: {  	(tm) =	ssettm $0x7FFFFFFF  }
tec
execute0_lowered:
.L_overlay_start_1:
0x0: {  	(tag) =	ssettag $0x1  }
0x1: {  	s1 =	rddreg [dreg:$0x0]  }
0x2: {  	s0 =	rddreg [dreg:$0x1]  }
0x3: {  	s2 =	rddreg [dreg:$0x2]  }
0x4: {  	s3 =	simm.s32 $0x0;
	s4 =	srdreg.scid;
	s17 =	stileid.u32  }
0x5: {  	[smem:$0x7FF] =	sst s3;
	s6 =	sadd.s32 $0x1C00, s0;
	s29 =	smul.u32 $0x50000, s17  }
0x6: {  	s4 =	sand.u32 $0x1, s4;
	s0 =	sadd.s32 $0x65600, s0;
	s30 =	smul.u32 $0x14000, s17  }
0x7: {  	s22 =	sshll.u32 s17, $0x7;
	_ =	strace $0x8000004A;
	s5 =	ssub.s32 $0x2, s4  }
0x8: {  	s7 =	sshll.u32 s4, $0x4;
	s31 =	smul.u32 $0x140000, s4;
	s4 =	sshll.u32 s4, $0xB  }
0x9: {  	s8 =	sshrl.u32 s5, $0x1;
	s7 =	sor.u32 s17, s7;
	s12 =	sadd.s32 $0x4000, s30  }
0xa: {  	s13 =	sadd.s32 $0x8000, s30;
	s18 =	sadd.s32 $0xC000, s30;
	s4 =	sor.u32 s22, s4  }
0xb: {  	s8 =	ssub.s32 s5, s8;
	p0 =	slt.u32 s7, $0x4;
	s7 =	sshll.u32 s7, $0x4  }
0xc: {  	s5 =	simm.s32 $0x4F;
	s14 =	sadd.s32 s31, s30;
	s15 =	sadd.s32 s31, s12  }
0xd: {  	s16 =	sadd.s32 s31, s13;
	s23 =	sadd.s32 s31, s18;
	s25 =	sadd.s32 $0x53200, s4  }
0xe: {  	s19 =	sadd.s32 s6, s7;
	s5 =	simm.s32 @!p0 $0x4E;
	s7 =	sshrl.u32 s29, $0x2  }
0xf: {  	s14 =	sshrl.u32 s14, $0x3;
	s15 =	sshrl.u32 s15, $0x3;
	s8 =	smax.u32 s8, $0x1  }
0x10: {  	s16 =	sshrl.u32 s16, $0x3;
	s24 =	sshrl.u32 s23, $0x3;
	[dreg:$0xe] =	wrdreg s8  }
0x11: {  	s26 =	sshrl.u32 s25, $0x3;
	s9 =	sadd.s32 $0x9C40, s19;
	[dreg:$0x5] =	wrdreg s19  }
0x12: {  	s29 =	sor.u32 $0x5000, s4;
	s10 =	sadd.s32 $0x200, s19;
	[dreg:$0x6] =	wrdreg s9  }
0x13: {  	s11 =	sand.u32 $0x1, s5;
	s14 =	sadd.s32 s0, s14;
	[dreg:$0x7] =	wrdreg s10  }
0x14: {  	s20 =	sadd.s32 s0, s15;
	s21 =	sadd.s32 s0, s16;
	[dreg:$0x8] =	wrdreg s14  }
0x15: {  	s28 =	sadd.s32 s26, s6;
	s22 =	sadd.s32 $0xA040, s19;
	[dreg:$0x9] =	wrdreg s20  }
0x16: {  	[dreg:$0xa] =	wrdreg s21;
	s9 =	sadd.s32 $0x10000, s30;
	s14 =	sadd.s32 s0, s24  }
0x17: {  	s30 =	sadd.s32 $0x52200, s4;
	s4 =	sor.u32 $0x4000, s4;
	[dreg:$0x17] =	wrdreg s22  }
0x18: {  	s17 =	sadd.s32 $0x7, s11;
	s20 =	sadd.s32 $0x9E40, s19;
	[dreg:$0xb] =	wrdreg s14  }
0x19: {  	s21 =	sadd.s32 $0x400, s19;
	s10 =	sadd.s32 s31, s9;
	[dreg:$0x15] =	wrdreg s20  }
0x1a: {  	s31 =	sxor.u32 $0x1, s11;
	s11 =	sadd.s32 s12, s2;
	[dreg:$0x16] =	wrdreg s21  }
0x1b: {  	s24 =	sadd.s32 s7, s2;
	s12 =	sadd.s32 s13, s2;
	[dreg:$0xf] =	wrdreg s11  }
0x1c: {  	s14 =	sshrl.u32 s30, $0x3;
	s13 =	sadd.s32 s18, s2;
	[dreg:$0x10] =	wrdreg s12  }
0x1d: {  	s4 =	sshrl.u32 s4, $0x3;
	s15 =	sadd.s32 s9, s2;
	[dreg:$0x11] =	wrdreg s13  }
0x1e: {  	s18 =	sshll.u32 s5, $0x9;
	s23 =	sadd.s32 $0x4000, s24;
	[dreg:$0x12] =	wrdreg s15  }
0x1f: {  	s26 =	sadd.s32 $0x8000, s24;
	s30 =	sadd.s32 $0x600, s19;
	[dreg:$0x18] =	wrdreg s23  }
0x20: {  	s20 =	simm.s32 $0x0;
	s10 =	sshrl.u32 s10, $0x3;
	[dreg:$0x19] =	wrdreg s26  }
0x21: {  	s14 =	sadd.s32 s14, s6;
	s4 =	sadd.s32 s4, s6;
	[dreg:$0x1c] =	wrdreg s30  }
0x22: {  	s25 =	sadd.s32 $0xFFFFFC00, s18;
	s0 =	sadd.s32 s0, s10;
	[dreg:$0x4] =	wrdreg s4  }
0x23: {  	s10 =	sshrl.u32 s29, $0x3;
	s29 =	sadd.s32 $0x10000, s24;
	[dreg:$0xc] =	wrdreg s0  }
0x24: {  	s10 =	sadd.s32 s10, s6;
	s6 =	sadd.s32 $0x7, s31;
	[dreg:$0x1b] =	wrdreg s29  }
0x25: {  	s26 =	simm.s32 $0x200;
	s0 =	sadd.s32 $0xFFFFFE00, s28;
	[dreg:$0xd] =	wrdreg s6  }
0x26: {  	s11 =	simm.s32 $0x400;
	s28 =	sadd.s32 $0xC000, s24;
	[dreg:$0x13] =	wrdreg s0  }
0x27: {  	s12 =	simm.s32 $0x9;
	s31 =	sadd.s32 $0xA240, s19;
	[dreg:$0x1a] =	wrdreg s28  }
0x28: {  	s13 =	simm.s32 $0x1;
	s16 =	sadd.s32 $0xFFFFFE00, s10;
	[dreg:$0x1d] =	wrdreg s31  }
0x29: {  	v0 =	vimm.f32 $0.0e+00;
	s18 =	simm.s32 $0x2;
	s10 =	simm.s32 $0x80;
	[dreg:$0x14] =	wrdreg s16  }
.LBB2_1:
0x2a: {  	s0 =	rddreg [dreg:$0x5]  }
0x2b: {  	s16 =	rddreg [dreg:$0x6]  }
0x2c: {  	s19 =	rddreg [dreg:$0x7]  }
0x2d: {  	[tilespmem:s3], [sflag:$0x1] =	stream.linear.gather [hbm4b:s0+s3], $0x80, $0x38;
	[tilespmem:$0x1C400] =	vst v63  }
0x2e: {  	s21 =	rddreg [dreg:$0x15]  }
0x2f: {  	[tilespmem:s26], [sflag:$0x1] =	stream.linear.gather [hbm4b:s16+s3], $0x80, $0x38;
	[tilespmem:$0x1C400] =	vst v63  }
0x30: {  	s4 =	simm.s32 $0x280;
	s22 =	rddreg [dreg:$0x16]  }
0x31: {  	[tilespmem:s10], [sflag:$0x2] =	stream.linear.gather [hbm4b:s19+s3], $0x80, $0x38;
	[tilespmem:$0x1C400] =	vst v63  }
0x32: {  	s23 =	simm.s32 $0x100;
	s28 =	rddreg [dreg:$0x17];
	s30 =	sand.u32 $0xFE00, s3  }
0x33: {  	[tilespmem:s4], [sflag:$0x2] =	stream.linear.gather [hbm4b:s21+s3], $0x80, $0x38;
	[tilespmem:$0x1C400] =	vst v63  }
0x34: {  	s29 =	simm.s32 $0x300;
	s31 =	sand.u32 $0x70, s3;
	s6 =	sshrl.u32 s30, $0x2  }
0x35: {  	[tilespmem:s23], [sflag:$0x3] =	stream.linear.gather [hbm4b:s22+s3], $0x80, $0x38;
	[tilespmem:$0x1C400] =	vst v63  }
0x36: {  	s0 =	simm.s32 $0x40;
	s6 =	sor.u32 s31, s6;
	s4 =	simm.s32 $0x0  }
0x37: {  	[tilespmem:s29], [sflag:$0x3] =	stream.linear.gather [hbm4b:s28+s3], $0x80, $0x38;
	[tilespmem:$0x1C400] =	vst v63  }
.LBB2_2:
0x38: {  	p0 =	sne.s32 s0, $0xFFC0  }
0x39: {  	[tilespmem:s6+$0x400] =	vst v0;
	s4 =	sadd.s32 $0x10, s4;
	s6 =	smov.u32 s0;
	s0 =	sadd.s32 $0x40, s0  }
.Ltmp0:
0x3a: {  	(pc) =	sbr.rel @p0 .LBB2_2-.Ltmp0, $4  }
0x3b: {  	_ = 	snop  }
0x3c: {  	s6 =	sand.u32 $0xFE00, s6  }
0x3d: {  	s7 =	sand.u32 $0x70, s4;
	s6 =	sshrl.u32 s6, $0x2  }
0x3e: {  	s6 =	sor.u32 s7, s6  }
0x3f: {  	[tilespmem:s6+$0x400] =	vst v0  }
0x40: {  	[spmem:s24] =	stream.linear.scatter [tilespmem:s11], [sflag:$0x9], $0x4000, $0x38;
	[tilespmem:$0x1C400] =	vst v63  }
0x41: {  	_ =	swait.ge [sflag:s12], $0x4000  }
0x42: {  	[sflag:s12] =	ssyncset.done $0x0  }
0x43: {  	s0 =	rddreg [dreg:$0x18];
	[sflag:s12] =	ssyncadd.s32 $0xFFFFC000  }
0x44: {  	[spmem:s0] =	stream.linear.scatter [tilespmem:s11], [sflag:$0x9], $0x4000, $0x38;
	[tilespmem:$0x1C400] =	vst v63  }
0x45: {  	_ =	swait.ge [sflag:s12], $0x4000  }
0x46: {  	[sflag:s12] =	ssyncset.done $0x0  }
0x47: {  	s9 =	rddreg [dreg:$0x19];
	[sflag:s12] =	ssyncadd.s32 $0xFFFFC000  }
0x48: {  	[spmem:s9] =	stream.linear.scatter [tilespmem:s11], [sflag:$0x9], $0x4000, $0x38;
	[tilespmem:$0x1C400] =	vst v63  }
0x49: {  	_ =	swait.ge [sflag:s12], $0x4000  }
0x4a: {  	[sflag:s12] =	ssyncset.done $0x0  }
0x4b: {  	s15 =	rddreg [dreg:$0x1a];
	[sflag:s12] =	ssyncadd.s32 $0xFFFFC000  }
0x4c: {  	[spmem:s15] =	stream.linear.scatter [tilespmem:s11], [sflag:$0x9], $0x4000, $0x38;
	[tilespmem:$0x1C400] =	vst v63  }
0x4d: {  	_ =	swait.ge [sflag:s12], $0x4000  }
0x4e: {  	[sflag:s12] =	ssyncset.done $0x0  }
0x4f: {  	s16 =	rddreg [dreg:$0x1b];
	[sflag:s12] =	ssyncadd.s32 $0xFFFFC000  }
0x50: {  	[spmem:s16] =	stream.linear.scatter [tilespmem:s11], [sflag:$0x9], $0x4000, $0x38;
	[tilespmem:$0x1C400] =	vst v63  }
0x51: {  	_ =	swait.ge [sflag:s12], $0x4000  }
0x52: {  	[sflag:s12] =	ssyncset.done $0x0  }
0x53: {  	[sflag:s12] =	ssyncadd.s32 $0xFFFFC000  }
0x54: {  	[bflag:$0x0] =	sbarrier.arrive $0xFFFF  }
0x55: {  	_ =	swait.ge [sflag:s13], $0x80  }
0x56: {  	[sflag:s13] =	ssyncset.done $0x0  }
0x57: {  	[sflag:s13] =	ssyncadd.s32 $0xFFFFFF80  }
0x58: {  	_ =	swait.ge [sflag:s13], $0x80  }
0x59: {  	[sflag:s13] =	ssyncset.done $0x0  }
0x5a: {  	s29 =	simm.s32 $0x0;
	[sflag:s13] =	ssyncadd.s32 $0xFFFFFF80  }
0x5b: {  	[tilespmem:s11], [sflag:$0x5] =	stream.indirect.gather [hbm4b:s1+s10], $0x80, s29, s10, $0xb8;
	[tilespmem:$0x1C400] =	vst v63  }
0x5c: {  	s4 =	simm.s32 $0x180;
	s19 =	rddreg [dreg:$0x1c]  }
0x5d: {  	[tilespmem:s4], [sflag:$0x4] =	stream.linear.gather [hbm4b:s19+s29], $0x80, $0x38;
	[tilespmem:$0x1C400] =	vst v63  }
0x5e: {  	s22 =	simm.s32 $0x380;
	s21 =	rddreg [dreg:$0x1d]  }
0x5f: {  	[tilespmem:s22], [sflag:$0x4] =	stream.linear.gather [hbm4b:s21+s29], $0x80, $0x38;
	[tilespmem:$0x1C400] =	vst v63  }
0x60: {  	_ =	swait.ge [sflag:s18], $0x80  }
0x61: {  	[sflag:s18] =	ssyncset.done $0x0  }
0x62: {  	[sflag:s18] =	ssyncadd.s32 $0xFFFFFF80  }
0x63: {  	_ =	swait.ge [sflag:s18], $0x80  }
0x64: {  	[sflag:s18] =	ssyncset.done $0x0  }
0x65: {  	s23 =	simm.s32 $0x4400;
	s28 =	simm.s32 $0x5;
	[sflag:s18] =	ssyncadd.s32 $0xFFFFFF80  }
0x66: {  	[tilespmem:s23], [sflag:$0x6] =	stream.indirect.gather [hbm4b:s1+s10], $0x80, s10, s10, $0xb8;
	[tilespmem:$0x1C400] =	vst v63  }
0x67: {  	_ =	swait.ge [sflag:s28], $0x4000  }
0x68: {  	p1 =	sne.s32 s25, $0x200;
	[sflag:s28] =	ssyncset.done $0x0  }
.Ltmp1:
0x69: {  	[sflag:s28] =	ssyncadd.s32 $0xFFFFC000;
	(pc) =	sbr.rel @!p1 .LBB2_4-.Ltmp1, $4  }
0x6a: {  	[spmem:s2] =	stream.indirect.scatter.add.f32 [tilespmem:s11], [sflag:$0x7], $0x80, s26, s10, $0xb8;
	[tilespmem:$0x1C400] =	vst v63  }
0x6b: {  	s26 =	simm.s32 $0x200  }
0x6c: {  	s23 =	simm.s32 $0x2;
	s31 =	sand.u32 $0x600, s26  }
0x6d: {  	p0 =	por $0x0, $0x0;
	s7 =	sand.u32 $0x1, s23;
	s30 =	sshrl.u32 s31, $0x2  }
0x6e: {  	s16 =	smov.u32 s24;
	s0 =	sadd.s32 $0x7, s7;
	s21 =	simm.s32 $0x400  }
0x6f: {  	s4 =	simm.s32 $0x4;
	p0 =	sle.u32 s5, $0x4;
	p1 =	sne.s32 s25, $0x400  }
0x70: {  	s28 =	sor.u32 $0x200, s30;
	s24 =	sand.u32 $0x3, s23;
	s29 =	sxor.u32 $0xFFFFFFFF, s29  }
0x71: {  	s30 =	sshll.u32 s7, $0xE;
	s23 =	simm.s32 $0x3;
	_ =	swait.ge [sflag:s0], $0x4000  }
0x72: {  	s6 =	sand.u32 $0x600, s21;
	s4 =	sand.u32 @!p0 $0x3, s4;
	s19 =	simm.s32 @!p0 $0x0  }
0x73: {  	s22 =	sadd.s32 @!p0 $0x0, s14;
	s31 =	sadd.s32 $0x1, s24;
	s8 =	rddreg [dreg:$0x4]  }
0x74: {  	s9 =	sshrl.u32 s6, $0x2;
	s6 =	sshll.u32 @!p0 s4, $0x7;
	[sflag:s0] =	ssyncset.done $0x0  }
0x75: {  	[sflag:s0] =	ssyncadd.s32 $0xFFFFC000;
	s0 =	sadd.s32 @!p0 $0x1, s4;
	s4 =	sadd.s32 @!p0 $0x0, s8  }
0x76: {  	[tilespmem:s6], [sflag:s0] =	stream.linear.gather @!p0 [hbm4b:s4+s19], $0x80, $0x38;
	[tilespmem:$0x1C400] =	vst v63  }
.Ltmp2:
0x77: {  	s8 =	sand.u32 $0x1, s29;
	s4 =	sor.u32 @!p0 $0x200, s6;
	(pc) =	sbr.rel @!p1 .LBB2_6-.Ltmp2, $4  }
0x78: {  	[tilespmem:s4], [sflag:s0] =	stream.linear.gather @!p0 [hbm4b:s22+s19], $0x80, $0x38;
	[tilespmem:$0x1C400] =	vst v63  }
0x79: {  	s6 =	sor.u32 $0x400, s30;
	s22 =	simm.s32 $0x1;
	_ =	swait.ge [sflag:s31], $0x80  }
0x7a: {  	s0 =	sshll.u32 s24, $0x7;
	s24 =	sand.u32 $0x1, s23;
	[sflag:s31] =	ssyncset.done $0x0  }
0x7b: {  	s4 =	sadd.s32 $0x5, s8;
	p0 =	por $0x1, $0x1;
	[sflag:s31] =	ssyncadd.s32 $0xFFFFFF80  }
.LBB2_7:
0x7c: {  	_ =	swait.ge [sflag:s31], $0x80;
	s19 =	sshll.u32 s8, $0xE;
	s29 =	smov.u32 s26  }
0x7d: {  	s26 =	smov.u32 s21;
	s21 =	sadd.s32 $0x200, s21;
	s30 =	smov.u32 s9  }
0x7e: {  	s7 =	sadd.s32 $0x5, s7;
	s8 =	sadd.s32 $0x7, s8;
	[sflag:s31] =	ssyncset.done $0x0  }
0x7f: {  	p1 =	sne.s32 s25, s21;
	s15 =	sand.u32 $0x600, s21;
	[sflag:s31] =	ssyncadd.s32 $0xFFFFFF80  }
0x80: {  	[tilespmem:s6], [sflag:s7] =	stream.indirect.gather [hbm4b:s1+s10], $0x80, s0, s10, $0xb8;
	[tilespmem:$0x1C400] =	vst v63  }
0x81: {  	s19 =	sor.u32 $0x400, s19;
	s9 =	sshrl.u32 s15, $0x2;
	s0 =	sadd.s32 $0x7, s24  }
0x82: {  	s6 =	sadd.s32 $0x4, s22;
	s7 =	smov.u32 s24;
	_ =	swait.ge [sflag:s4], $0x4000  }
0x83: {  	s24 =	sxor.u32 $0xFFFFFFFF, s22;
	p2 =	sge.u32 s6, s5;
	[sflag:s4] =	ssyncset.done $0x0  }
0x84: {  	s22 =	sadd.s32 $0x1, s22;
	s6 =	sand.u32 @!p2 $0x3, s6;
	[sflag:s4] =	ssyncadd.s32 $0xFFFFC000  }
0x85: {  	[spmem:s2] =	stream.indirect.scatter.add.f32 [tilespmem:s19], [sflag:s8], $0x80, s28, s10, $0xb8;
	[tilespmem:$0x1C400] =	vst v63  }
0x86: {  	s4 =	sshll.u32 @!p2 s6, $0x7;
	s8 =	simm.s32 @!p2 $0x0;
	_ =	swait.ge [sflag:s0], $0x4000  }
0x87: {  	s15 =	sor.u32 @!p2 $0x200, s4;
	[sflag:s0] =	ssyncset.done $0x0;
	s19 =	rddreg [dreg:$0x4]  }
0x88: {  	[sflag:s0] =	ssyncadd.s32 $0xFFFFC000;
	s0 =	sadd.s32 @!p2 $0x1, s6;
	s6 =	sadd.s32 @!p2 s29, s19  }
0x89: {  	[tilespmem:s4], [sflag:s0] =	stream.linear.gather @!p2 [hbm4b:s6+s8], $0x80, $0x38;
	[tilespmem:$0x1C400] =	vst v63  }
0x8a: {  	s28 =	sor.u32 $0x200, s30;
	s6 =	sadd.s32 @!p2 s29, s14;
	s29 =	sand.u32 $0x3, s23  }
.Ltmp3:
0x8b: {  	s30 =	sshll.u32 s7, $0xE;
	s31 =	sadd.s32 $0x1, s29;
	(pc) =	sbr.rel @p1 .LBB2_7-.Ltmp3, $4  }
0x8c: {  	[tilespmem:s15], [sflag:s0] =	stream.linear.gather @!p2 [hbm4b:s6+s8], $0x80, $0x38;
	[tilespmem:$0x1C400] =	vst v63  }
0x8d: {  	s23 =	sadd.s32 $0x2, s22;
	s0 =	sshll.u32 s29, $0x7;
	_ =	swait.ge [sflag:s31], $0x80  }
0x8e: {  	s6 =	sor.u32 $0x400, s30;
	s8 =	sand.u32 $0x1, s24;
	[sflag:s31] =	ssyncset.done $0x0  }
0x8f: {  	s24 =	sand.u32 $0x1, s23;
	s4 =	sadd.s32 $0x5, s8;
	[sflag:s31] =	ssyncadd.s32 $0xFFFFFF80  }
0x90: {  	s19 =	smov.u32 s7;
	s29 =	smov.u32 s26;
	s30 =	smov.u32 s9  }
0x91: {  	s7 =	smov.u32 s24;
	s24 =	smov.u32 s16;
	s26 =	simm.s32 $0x200  }
.LBB2_9:
0x92: {  	_ =	swait.ge @p0 [sflag:s31], $0x80  }
0x93: {  	[sflag:s31] =	ssyncset.done @p0 $0x0  }
0x94: {  	s9 =	sadd.s32 @p0 $0x5, s19;
	[sflag:s31] =	ssyncadd.s32 @p0 $0xFFFFFF80  }
0x95: {  	[tilespmem:s6], [sflag:s9] =	stream.indirect.gather @p0 [hbm4b:s1+s10], $0x80, s0, s10, $0xb8;
	[tilespmem:$0x1C400] =	vst v63  }
0x96: {  	_ =	swait.ge @p0 [sflag:s4], $0x4000  }
0x97: {  	s0 =	sshll.u32 @p0 s8, $0xE;
	[sflag:s4] =	ssyncset.done @p0 $0x0  }
0x98: {  	s6 =	sadd.s32 @p0 $0x7, s8;
	s0 =	sor.u32 @p0 $0x400, s0;
	[sflag:s4] =	ssyncadd.s32 @p0 $0xFFFFC000  }
0x99: {  	[spmem:s2] =	stream.indirect.scatter.add.f32 @p0 [tilespmem:s0], [sflag:s6], $0x80, s28, s10, $0xb8;
	[tilespmem:$0x1C400] =	vst v63  }
0x9a: {  	s9 =	sadd.s32 $0x7, s7;
	s0 =	sadd.s32 $0x4, s22  }
0x9b: {  	_ =	swait.ge [sflag:s9], $0x4000;
	p0 =	sge.u32 s0, s5  }
0x9c: {  	s31 =	sand.u32 $0x3, s23;
	s4 =	rddreg [dreg:$0x4];
	s0 =	sand.u32 @!p0 $0x3, s0  }
0x9d: {  	s8 =	simm.s32 @!p0 $0x0;
	[sflag:s9] =	ssyncset.done $0x0;
	s6 =	sshll.u32 @!p0 s0, $0x7  }
0x9e: {  	[sflag:s9] =	ssyncadd.s32 $0xFFFFC000;
	s0 =	sadd.s32 @!p0 $0x1, s0;
	s4 =	sadd.s32 @!p0 s29, s4  }
0x9f: {  	[tilespmem:s6], [sflag:s0] =	stream.linear.gather @!p0 [hbm4b:s4+s8], $0x80, $0x38;
	[tilespmem:$0x1C400] =	vst v63  }
0xa0: {  	s16 =	sadd.s32 $0x1, s31;
	s15 =	sadd.s32 @!p0 s29, s14;
	s6 =	sor.u32 @!p0 $0x200, s6  }
0xa1: {  	[tilespmem:s6], [sflag:s0] =	stream.linear.gather @!p0 [hbm4b:s15+s8], $0x80, $0x38;
	[tilespmem:$0x1C400] =	vst v63  }
0xa2: {  	_ =	swait.ge [sflag:s16], $0x80  }
0xa3: {  	[sflag:s16] =	ssyncset.done $0x0  }
0xa4: {  	s23 =	sxor.u32 $0xFFFFFFFF, s22;
	[sflag:s16] =	ssyncadd.s32 $0xFFFFFF80  }
0xa5: {  	s28 =	sshll.u32 s7, $0xE;
	s29 =	sadd.s32 $0x5, s7;
	_ =	swait.ge [sflag:s16], $0x80  }
0xa6: {  	s4 =	sshll.u32 s31, $0x7;
	s6 =	sor.u32 $0x400, s28;
	[sflag:s16] =	ssyncset.done $0x0  }
0xa7: {  	s0 =	sand.u32 $0x1, s23;
	s15 =	sadd.s32 $0x1, s22;
	[sflag:s16] =	ssyncadd.s32 $0xFFFFFF80  }
0xa8: {  	[tilespmem:s6], [sflag:s29] =	stream.indirect.gather [hbm4b:s1+s10], $0x80, s4, s10, $0xb8;
	[tilespmem:$0x1C400] =	vst v63  }
0xa9: {  	s30 =	sor.u32 $0x200, s30;
	s8 =	sadd.s32 $0x5, s0;
	s4 =	sadd.s32 $0x2, s15  }
0xaa: {  	s31 =	sshll.u32 s0, $0xE;
	_ =	swait.ge [sflag:s8], $0x4000;
	p0 =	sge.u32 s4, s5  }
0xab: {  	s0 =	sadd.s32 $0x7, s0;
	[sflag:s8] =	ssyncset.done $0x0;
	s22 =	sadd.s32 @!p0 $0x4, s15  }
0xac: {  	s19 =	sor.u32 $0x400, s31;
	[sflag:s8] =	ssyncadd.s32 $0xFFFFC000;
	p1 =	sge.u32 @!p0 s22, s5  }
0xad: {  	[spmem:s2] =	stream.indirect.scatter.add.f32 [tilespmem:s19], [sflag:s0], $0x80, s30, s10, $0xb8;
	[tilespmem:$0x1C400] =	vst v63  }
0xae: {  	p1 =	por p1, p0;
	_ =	swait.ge @!p0 [sflag:s0], $0x4000  }
0xaf: {  	s15 =	sand.u32 @!p1 $0x3, s15;
	s23 =	simm.s32 @!p1 $0x0;
	[sflag:s0] =	ssyncset.done @!p0 $0x0  }
0xb0: {  	s16 =	rddreg [dreg:$0x14];
	[sflag:s0] =	ssyncadd.s32 @!p0 $0xFFFFC000;
	s0 =	sadd.s32 @!p1 $0x1, s15  }
0xb1: {  	s15 =	sshll.u32 @!p1 s15, $0x7;
	s22 =	sadd.s32 @!p1 s21, s16;
	s16 =	rddreg [dreg:$0x13]  }
0xb2: {  	[tilespmem:s15], [sflag:s0] =	stream.linear.gather @!p1 [hbm4b:s22+s23], $0x80, $0x38;
	[tilespmem:$0x1C400] =	vst v63  }
0xb3: {  	s15 =	sor.u32 @!p1 $0x200, s15;
	s22 =	sadd.s32 @!p1 s21, s16  }
0xb4: {  	[tilespmem:s15], [sflag:s0] =	stream.linear.gather @!p1 [hbm4b:s22+s23], $0x80, $0x38;
	[tilespmem:$0x1C400] =	vst v63  }
0xb5: {  	s0 =	sand.u32 @!p0 $0x3, s4  }
0xb6: {  	s4 =	sadd.s32 @!p0 $0x1, s0  }
0xb7: {  	_ =	swait.ge @!p0 [sflag:s4], $0x80  }
0xb8: {  	[sflag:s4] =	ssyncset.done @!p0 $0x0  }
0xb9: {  	[sflag:s4] =	ssyncadd.s32 @!p0 $0xFFFFFF80  }
0xba: {  	_ =	swait.ge @!p0 [sflag:s4], $0x80  }
0xbb: {  	[sflag:s4] =	ssyncset.done @!p0 $0x0  }
0xbc: {  	s0 =	sshll.u32 @!p0 s0, $0x7;
	[sflag:s4] =	ssyncadd.s32 @!p0 $0xFFFFFF80;
	s4 =	simm.s32 @!p0 $0x80  }
0xbd: {  	[tilespmem:s19], [sflag:s8] =	stream.indirect.gather @!p0 [hbm4b:s1+s4], $0x80, s0, s4, $0xb8;
	[tilespmem:$0x1C400] =	vst v63  }
0xbe: {  	s8 =	sadd.s32 $0x200, s21  }
0xbf: {  	_ =	swait.ge [sflag:s29], $0x4000;
	s0 =	sand.u32 $0x600, s8  }
0xc0: {  	[sflag:s29] =	ssyncset.done $0x0;
	s0 =	sshrl.u32 s0, $0x2  }
0xc1: {  	[sflag:s29] =	ssyncadd.s32 $0xFFFFC000;
	s0 =	sor.u32 $0x200, s0  }
0xc2: {  	[spmem:s2] =	stream.indirect.scatter.add.f32 [tilespmem:s6], [sflag:s9], $0x80, s0, s10, $0xb8;
	[tilespmem:$0x1C400] =	vst v63  }
0xc3: {  	s9 =	rddreg [dreg:$0xd]  }
0xc4: {  	_ =	swait.ge [sflag:s9], $0x4000  }
0xc5: {  	[sflag:s9] =	ssyncset.done $0x0  }
0xc6: {  	[sflag:s9] =	ssyncadd.s32 $0xFFFFC000  }
0xc7: {  	_ =	swait.ge [sflag:s17], $0x4000  }
0xc8: {  	[sflag:s17] =	ssyncset.done $0x0  }
0xc9: {  	[sflag:s17] =	ssyncadd.s32 $0xFFFFC000  }
0xca: {  	[bflag:$0x0] =	sbarrier.arrive $0xFFFF  }
0xcb: {  	[tilespmem:s11], [sflag:$0x9] =	stream.linear.gather [spmem:s24], $0x4000, $0x38;
	[tilespmem:$0x1C400] =	vst v63  }
0xcc: {  	_ =	swait.ge [sflag:s12], $0x4000  }
0xcd: {  	[sflag:s12] =	ssyncset.done $0x0  }
0xce: {  	s15 =	rddreg [dreg:$0x8];
	[sflag:s12] =	ssyncadd.s32 $0xFFFFC000  }
0xcf: {  	[hbm4b:s15+s3] =	stream.linear.scatter [tilespmem:s11], [sflag:$0x9], $0x4000, $0x38;
	[tilespmem:$0x1C400] =	vst v63  }
0xd0: {  	_ =	swait.ge [sflag:s12], $0x4000  }
0xd1: {  	[sflag:s12] =	ssyncset.done $0x0  }
0xd2: {  	s16 =	rddreg [dreg:$0xf];
	[sflag:s12] =	ssyncadd.s32 $0xFFFFC000  }
0xd3: {  	[tilespmem:s11], [sflag:$0x9] =	stream.linear.gather [spmem:s16], $0x4000, $0x38;
	[tilespmem:$0x1C400] =	vst v63  }
0xd4: {  	_ =	swait.ge [sflag:s12], $0x4000  }
0xd5: {  	[sflag:s12] =	ssyncset.done $0x0  }
0xd6: {  	s19 =	rddreg [dreg:$0x9];
	[sflag:s12] =	ssyncadd.s32 $0xFFFFC000  }
0xd7: {  	[hbm4b:s19+s3] =	stream.linear.scatter [tilespmem:s11], [sflag:$0x9], $0x4000, $0x38;
	[tilespmem:$0x1C400] =	vst v63  }
0xd8: {  	_ =	swait.ge [sflag:s12], $0x4000  }
0xd9: {  	[sflag:s12] =	ssyncset.done $0x0  }
0xda: {  	s21 =	rddreg [dreg:$0x10];
	[sflag:s12] =	ssyncadd.s32 $0xFFFFC000  }
0xdb: {  	[tilespmem:s11], [sflag:$0x9] =	stream.linear.gather [spmem:s21], $0x4000, $0x38;
	[tilespmem:$0x1C400] =	vst v63  }
0xdc: {  	_ =	swait.ge [sflag:s12], $0x4000  }
0xdd: {  	[sflag:s12] =	ssyncset.done $0x0  }
0xde: {  	s22 =	rddreg [dreg:$0xa];
	[sflag:s12] =	ssyncadd.s32 $0xFFFFC000  }
0xdf: {  	[hbm4b:s22+s3] =	stream.linear.scatter [tilespmem:s11], [sflag:$0x9], $0x4000, $0x38;
	[tilespmem:$0x1C400] =	vst v63  }
0xe0: {  	_ =	swait.ge [sflag:s12], $0x4000  }
0xe1: {  	[sflag:s12] =	ssyncset.done $0x0  }
0xe2: {  	s23 =	rddreg [dreg:$0x11];
	[sflag:s12] =	ssyncadd.s32 $0xFFFFC000  }
0xe3: {  	[tilespmem:s11], [sflag:$0x9] =	stream.linear.gather [spmem:s23], $0x4000, $0x38;
	[tilespmem:$0x1C400] =	vst v63  }
0xe4: {  	_ =	swait.ge [sflag:s12], $0x4000  }
0xe5: {  	[sflag:s12] =	ssyncset.done $0x0  }
0xe6: {  	s28 =	rddreg [dreg:$0xb];
	[sflag:s12] =	ssyncadd.s32 $0xFFFFC000  }
0xe7: {  	[hbm4b:s28+s3] =	stream.linear.scatter [tilespmem:s11], [sflag:$0x9], $0x4000, $0x38;
	[tilespmem:$0x1C400] =	vst v63  }
0xe8: {  	_ =	swait.ge [sflag:s12], $0x4000  }
0xe9: {  	[sflag:s12] =	ssyncset.done $0x0  }
0xea: {  	s29 =	rddreg [dreg:$0x12];
	[sflag:s12] =	ssyncadd.s32 $0xFFFFC000  }
0xeb: {  	[tilespmem:s11], [sflag:$0x9] =	stream.linear.gather [spmem:s29], $0x4000, $0x38;
	[tilespmem:$0x1C400] =	vst v63  }
0xec: {  	_ =	swait.ge [sflag:s12], $0x4000  }
0xed: {  	[sflag:s12] =	ssyncset.done $0x0  }
0xee: {  	s30 =	rddreg [dreg:$0xc];
	[sflag:s12] =	ssyncadd.s32 $0xFFFFC000  }
0xef: {  	[hbm4b:s30+s3] =	stream.linear.scatter [tilespmem:s11], [sflag:$0x9], $0x4000, $0x38;
	[tilespmem:$0x1C400] =	vst v63  }
0xf0: {  	_ =	swait.ge [sflag:s12], $0x4000  }
0xf1: {  	s20 =	sadd.s32 $0x1, s20;
	s31 =	rddreg [dreg:$0xe]  }
0xf2: {  	p0 =	sne.s32 s20, s31  }
.Ltmp4:
0xf3: {  	_ = 	snop;
	(pc) =	sbr.rel @p0 .LBB2_1-.Ltmp4, $4  }
.Ltmp5:
0xf4: {  	_ = 	snop;
	(pc) =	sbr.rel @!p0 .LBB2_10-.Ltmp5, $4  }
0xf5: {  	_ = 	snop  }
0xf6: {  	[sflag:s12] =	ssyncset.done $0x0  }
0xf7: {  	[sflag:s12] =	ssyncadd.s32 $0xFFFFC000  }
0xf8: {  	_ = 	snop  }
.LBB2_4:
.Ltmp6:
0xf9: {  	(pc) =	sbr.rel .LBB2_9-.Ltmp6, $2  }
0xfa: {  	_ =	sdelay $0x2  }
0xfb: {  	s21 =	simm.s32 $0x200;
	s22 =	simm.s32 $0x0;
	s26 =	simm.s32 $0x200  }
.LBB2_6:
.Ltmp7:
0xfc: {  	(pc) =	sbr.rel .LBB2_9-.Ltmp7, $3  }
0xfd: {  	_ =	sdelay $0x1  }
0xfe: {  	s19 =	smov.u32 s7;
	s29 =	simm.s32 $0x200;
	s30 =	smov.u32 s9  }
0xff: {  	s7 =	smov.u32 s24;
	s24 =	smov.u32 s16;
	s26 =	simm.s32 $0x200  }
.LBB2_10:
0x100: {  	_ =	sfence.sel $0x180000  }
0x101: {  	[bflag:$0x0] =	sbarrier.arrive $0xFFFF  }
0x102: {  	_ =	strace $0x9000004A  }
0x103: {  	s0 =	stileid.u32;
	[bflag:$0x2] =	sbarrier.arrive $0xFFFF  }
0x104: {  	p0 =	sne.s32 s0, $0x0;
	s0 =	rddreg [dreg:$0x3]  }
0x105: {  	s0 =	sadd.s32 @!p0 $0x100000, s0  }
0x106: {  	[sflag:s0] =	ssyncadd.tile.s32 @!p0 $0x1;
	_ =	shalt  }
.Lfunc_end2:
_tile_overlayer_lowered:
.L_overlay_start_2:
0x107: {  	(tag) =	ssettag $0x2  }
0x108: {  	s0 =	rddreg [dreg:$0x0];
	s2 =	stileid.u32  }
0x109: {  	s1 =	rddreg [dreg:$0x1];
	p0 =	sne.s32 s2, $0x0  }
0x10a: {  	s3 =	rddreg [dreg:$0x2];
	[bflag:$0x3] =	sbarrier.arrive $0xFFFF;
	s2 =	simm.s32 @!p0 $0x1C09  }
0x10b: {  	[timem:s3], [sflag:s2] =	dma.local @!p0 [hbm:s0], s1  }
0x10c: {  	s0 =	simm.s32 @!p0 $0x9  }
0x10d: {  	_ =	swait.ge @!p0 [sflag:s0], s1  }
0x10e: {  	s1 =	ssub.s32 @!p0 $0x0, s1;
	[sflag:s0] =	ssyncset.done @!p0 $0x0  }
0x10f: {  	[sflag:s0] =	ssyncadd.s32 @!p0 s1  }
0x110: {  	[bflag:$0x3] =	sbarrier.arrive $0xFFFF  }
0x111: {  	_ =	shalt  }

</sc_bundles>
